<compile_context>
chip_gen: v7x
topology: tpu7x:2x2x1
jax: 0.10.2.dev20260603
libtpu: 0.0.44.dev20260713+nightly
codegen_flags: <defaults>
</compile_context>

<pallas_src>
import functools

import jax
import jax.numpy as jnp
from jax import lax
from jax.experimental import pallas as pl
from jax.experimental.pallas import tpu as pltpu
from jax.experimental.pallas import tpu_sc as plsc

N_SO = 100000
DIM = 64
BATCH = 16384
HIST = 50

NC = 2
NS = 16
NW = NC * NS
LANES = 16

ROWS_PER_W = BATCH // NW
IDX_PER_W = ROWS_PER_W * HIST
BB = 16
NBLK = ROWS_PER_W // BB
IDX_PER_BLK = BB * HIST


@functools.partial(
    pl.kernel,
    out_type=jax.ShapeDtypeStruct((BATCH, DIM), jnp.float32),
    mesh=plsc.VectorSubcoreMesh(core_axis_name="c", subcore_axis_name="s"),
    scratch_types=[
        pltpu.VMEM((IDX_PER_W,), jnp.int32),
        pltpu.VMEM((IDX_PER_BLK, DIM), jnp.bfloat16),
        pltpu.VMEM((IDX_PER_BLK, DIM), jnp.bfloat16),
        pltpu.VMEM((DIM,), jnp.float32),
        pltpu.VMEM((ROWS_PER_W, DIM), jnp.float32),
        pltpu.SemaphoreType.DMA,
        pltpu.SemaphoreType.DMA,
    ],
    compiler_params=pltpu.CompilerParams(
        use_tc_tiling_on_sc=False, needs_layout_passes=False
    ),
)
def _sc_pool(occ_hbm, e_hbm, b_hbm, out_hbm,
             idx_all, rows_a, rows_b, bias_v, out_all, sem_a, sem_b):
    wid = lax.axis_index("s") * NC + lax.axis_index("c")
    base_row = wid * ROWS_PER_W

    pltpu.sync_copy(
        occ_hbm.at[pl.ds(pl.multiple_of(base_row * HIST, IDX_PER_W), IDX_PER_W)],
        idx_all,
    )
    pltpu.sync_copy(b_hbm, bias_v)

    iota = lax.iota(jnp.int32, LANES)
    cols = [(j * 2 * LANES + 2 * iota, j * 2 * LANES + 2 * iota + 1)
            for j in range(2)]
    bias = [(plsc.load_gather(bias_v, [ce]), plsc.load_gather(bias_v, [co]))
            for (ce, co) in cols]

    def start(g, rows_v, sem):
        idx_slice = idx_all.at[pl.ds(g * IDX_PER_BLK, IDX_PER_BLK)]
        pltpu.async_copy(e_hbm.at[idx_slice], rows_v, sem)

    def compute(g, rows_v, sem):
        pltpu.make_async_copy(
            e_hbm.at[idx_all.at[pl.ds(g * IDX_PER_BLK, IDX_PER_BLK)]],
            rows_v, sem,
        ).wait()
        row0 = g * BB

        def row_body(r, carry2):
            rbase = r * HIST

            def h_body(h, accs):
                row = rbase + h
                (a0, b0), (a1, b1) = accs
                v0 = rows_v[row, pl.ds(0, 2 * LANES)]
                e0, o0 = plsc.unpack(v0, format=plsc.PackFormat.INTERLEAVED)
                v1 = rows_v[row, pl.ds(2 * LANES, 2 * LANES)]
                e1, o1 = plsc.unpack(v1, format=plsc.PackFormat.INTERLEAVED)
                return ((a0 + e0, b0 + o0), (a1 + e1, b1 + o1))

            accs = lax.fori_loop(0, HIST, h_body, tuple(bias), unroll=10)
            rvec = jnp.broadcast_to(row0 + r, (LANES,)).astype(jnp.int32)
            for j in range(2):
                ae, ao = accs[j]
                ce, co = cols[j]
                plsc.store_scatter(out_all, [rvec, ce], ae)
                plsc.store_scatter(out_all, [rvec, co], ao)
            return carry2

        lax.fori_loop(0, BB, row_body, 0)

    start(0, rows_a, sem_a)

    def blk_pair(t, carry):
        g0 = t * 2
        g1 = g0 + 1
        start(g1, rows_b, sem_b)
        compute(g0, rows_a, sem_a)

        @pl.when(g1 + 1 < NBLK)
        def _():
            start(g1 + 1, rows_a, sem_a)

        compute(g1, rows_b, sem_b)
        return carry

    lax.fori_loop(0, NBLK // 2, blk_pair, 0)

    pltpu.sync_copy(
        out_all,
        out_hbm.at[pl.ds(pl.multiple_of(base_row, ROWS_PER_W), ROWS_PER_W)],
    )


def kernel(occ_so, E, b):
    e_bf = lax.optimization_barrier(E.T.astype(jnp.bfloat16)).T
    occ_flat = occ_so.reshape(-1)
    return _sc_pool(occ_flat, e_bf, b)

# --- scband reference (transcript-rebuilt; emitter-appended) ---
"""Pipeline reference for scband-embedding-pool-encoder-2267742732760 (READ-ONLY COPY).

The authoritative reference and input builder live on the scoring server;
editing this copy changes nothing except your own understanding.
"""

import jax, jax.numpy as jnp
import numpy as np

N_SO = 100000
DIM = 64
BATCH = 16384
HIST = 50


def setup_inputs(seed: int = 0) -> dict:
    key = jax.random.key(seed)
    k_idx, k_emb = jax.random.split(key)
    occ_so = jax.random.randint(k_idx, (BATCH, HIST), 0, N_SO, dtype=jnp.int32)
    # glorot_uniform init for (n_so, dim)
    limit = float(np.sqrt(6.0 / (N_SO + DIM)))
    E = jax.random.uniform(k_emb, (N_SO, DIM), dtype=jnp.float32, minval=-limit, maxval=limit)
    b = jnp.zeros((DIM,), dtype=jnp.float32)
    return {"occ_so": occ_so, "E": E, "b": b}


def reference(occ_so, E, b):
    # gather backend: (..., n_elec, dim)
    tokens = jnp.take(E, occ_so, axis=0)
    # sum pool over tokens axis, add bias
    x = jnp.sum(tokens, axis=-2) + b
    return x

if __name__ == "__main__":
    import jax
    _d = setup_inputs()
    print(jax.jit(kernel)(*tuple(_d.values())))

</pallas_src>

<mosaic_0001>
#map = affine_map<(d0, d1) -> (0)>
#map1 = affine_map<(d0, d1) -> (0, 0)>
module attributes {stable_mosaic.version = 14 : i64} {
  func.func @_sc_pool(%arg0: i32, %arg1: i32, %arg2: memref<819200xi32, #tpu.memory_space<hbm>>, %arg3: memref<100000x64xbf16, #tpu.memory_space<hbm>>, %arg4: memref<64xf32, #tpu.memory_space<hbm>>, %arg5: memref<16384x64xf32, #tpu.memory_space<hbm>>, %arg6: memref<25600xi32, #tpu.memory_space<vmem>>, %arg7: memref<800x64xbf16, #tpu.memory_space<vmem>>, %arg8: memref<800x64xbf16, #tpu.memory_space<vmem>>, %arg9: memref<64xf32, #tpu.memory_space<vmem>>, %arg10: memref<512x64xf32, #tpu.memory_space<vmem>>, %arg11: memref<!tpu.dma_semaphore, #tpu.memory_space<semaphore_mem>>, %arg12: memref<!tpu.dma_semaphore, #tpu.memory_space<semaphore_mem>>) attributes {dimension_semantics = [#tpu.dimension_semantics<core_parallel>, #tpu.dimension_semantics<subcore_parallel>], iteration_bounds = array<i64: 2, 16>, scalar_prefetch = 0 : i64, scratch_operands = 7 : i64, tpu.core_type = #tpu.core_type<sc_vector_subcore>, window_params = [{transform_indices = #map}, {transform_indices = #map1}, {transform_indices = #map}, {transform_indices = #map1}]} {
    %mul3A = arith.constant 2 : i32
    %mul3A_0 = arith.muli %arg1, %mul3A : i32
    %add3A = arith.addi %mul3A_0, %arg0 : i32
    %mul3A_1 = arith.constant 512 : i32
    %mul3A_2 = arith.muli %add3A, %mul3A_1 : i32
    %mul3A_3 = arith.constant 50 : i32
    %mul3A_4 = arith.muli %mul3A_2, %mul3A_3 : i32
    %multiple_of3A = tpu.assume_multiple %mul3A_4, 25600 : i32
    "tpu.region"() ({
      %run_scoped3A = tpu.sem_alloc : memref<!tpu.dma_semaphore, #tpu.memory_space<semaphore_mem>>
      %dma_start3A_48 = tpu.memref_slice %arg2[%multiple_of3A] : memref<819200xi32, #tpu.memory_space<hbm>> -> memref<25600xi32, #tpu.memory_space<hbm>>
      %dma_start3A_49 = tpu.memref_slice %arg2[%multiple_of3A] : memref<819200xi32, #tpu.memory_space<hbm>> -> memref<25600xi32, #tpu.memory_space<hbm>>
      tpu.enqueue_dma source(%dma_start3A_49 : memref<25600xi32, #tpu.memory_space<hbm>>) target(%arg6 : memref<25600xi32, #tpu.memory_space<vmem>>) target_semaphore(%run_scoped3A : memref<!tpu.dma_semaphore, #tpu.memory_space<semaphore_mem>>)
      %dma_wait3A = tpu.memref_slice %arg2[%multiple_of3A] : memref<819200xi32, #tpu.memory_space<hbm>> -> memref<25600xi32, #tpu.memory_space<hbm>>
      %dma_wait3A_50 = tpu.memref_slice %arg2[%multiple_of3A] : memref<819200xi32, #tpu.memory_space<hbm>> -> memref<25600xi32, #tpu.memory_space<hbm>>
      tpu.wait_dma2 semaphore(%run_scoped3A : memref<!tpu.dma_semaphore, #tpu.memory_space<semaphore_mem>>) src(%dma_wait3A_50 : memref<25600xi32, #tpu.memory_space<hbm>>) dst(%arg6 : memref<25600xi32, #tpu.memory_space<vmem>>)
      tpu.yield
    }) : () -> ()
    "tpu.region"() ({
      %run_scoped3A = tpu.sem_alloc : memref<!tpu.dma_semaphore, #tpu.memory_space<semaphore_mem>>
      tpu.enqueue_dma source(%arg4 : memref<64xf32, #tpu.memory_space<hbm>>) target(%arg9 : memref<64xf32, #tpu.memory_space<vmem>>) target_semaphore(%run_scoped3A : memref<!tpu.dma_semaphore, #tpu.memory_space<semaphore_mem>>)
      tpu.wait_dma2 semaphore(%run_scoped3A : memref<!tpu.dma_semaphore, #tpu.memory_space<semaphore_mem>>) src(%arg4 : memref<64xf32, #tpu.memory_space<hbm>>) dst(%arg9 : memref<64xf32, #tpu.memory_space<vmem>>)
      tpu.yield
    }) : () -> ()
    %iota3A = tpu.iota {dimensions = array<i32: 0>} : vector<16xi32>
    %mul3A_5 = arith.constant 2 : i32
    %mul3A_6 = vector.broadcast %mul3A_5 : i32 to vector<16xi32>
    %mul3A_7 = arith.muli %mul3A_6, %iota3A : vector<16xi32>
    %add3A_8 = arith.constant 0 : i32
    %add3A_9 = vector.broadcast %add3A_8 : i32 to vector<16xi32>
    %add3A_10 = arith.addi %add3A_9, %mul3A_7 : vector<16xi32>
    %mul3A_11 = arith.constant 2 : i32
    %mul3A_12 = vector.broadcast %mul3A_11 : i32 to vector<16xi32>
    %mul3A_13 = arith.muli %mul3A_12, %iota3A : vector<16xi32>
    %add3A_14 = arith.constant 0 : i32
    %add3A_15 = vector.broadcast %add3A_14 : i32 to vector<16xi32>
    %add3A_16 = arith.addi %add3A_15, %mul3A_13 : vector<16xi32>
    %add3A_17 = arith.constant 1 : i32
    %add3A_18 = vector.broadcast %add3A_17 : i32 to vector<16xi32>
    %add3A_19 = arith.addi %add3A_16, %add3A_18 : vector<16xi32>
    %mul3A_20 = arith.constant 2 : i32
    %mul3A_21 = vector.broadcast %mul3A_20 : i32 to vector<16xi32>
    %mul3A_22 = arith.muli %mul3A_21, %iota3A : vector<16xi32>
    %add3A_23 = arith.constant 32 : i32
    %add3A_24 = vector.broadcast %add3A_23 : i32 to vector<16xi32>
    %add3A_25 = arith.addi %add3A_24, %mul3A_22 : vector<16xi32>
    %mul3A_26 = arith.constant 2 : i32
    %mul3A_27 = vector.broadcast %mul3A_26 : i32 to vector<16xi32>
    %mul3A_28 = arith.muli %mul3A_27, %iota3A : vector<16xi32>
    %add3A_29 = arith.constant 32 : i32
    %add3A_30 = vector.broadcast %add3A_29 : i32 to vector<16xi32>
    %add3A_31 = arith.addi %add3A_30, %mul3A_28 : vector<16xi32>
    %add3A_32 = arith.constant 1 : i32
    %add3A_33 = vector.broadcast %add3A_32 : i32 to vector<16xi32>
    %add3A_34 = arith.addi %add3A_31, %add3A_33 : vector<16xi32>
    %gather3A = tpu.vector_load_idx %arg9[%add3A_10] : memref<64xf32, #tpu.memory_space<vmem>>[vector<16xi32>], vector<16xf32>,
    %gather3A_35 = tpu.vector_load_idx %arg9[%add3A_19] : memref<64xf32, #tpu.memory_space<vmem>>[vector<16xi32>], vector<16xf32>,
    %gather3A_36 = tpu.vector_load_idx %arg9[%add3A_25] : memref<64xf32, #tpu.memory_space<vmem>>[vector<16xi32>], vector<16xf32>,
    %gather3A_37 = tpu.vector_load_idx %arg9[%add3A_34] : memref<64xf32, #tpu.memory_space<vmem>>[vector<16xi32>], vector<16xf32>,
    %dma_start3A = arith.constant 0 : i32
    %dma_start3A_38 = tpu.memref_slice %arg6[%dma_start3A] : memref<25600xi32, #tpu.memory_space<vmem>> -> memref<800xi32, #tpu.memory_space<vmem>>
    %dma_start3A_39 = arith.constant 0 : i32
    %dma_start3A_40 = arith.constant 0 : i32
    %dma_start3A_41 = tpu.memref_slice %arg3[%dma_start3A_39, %dma_start3A_40] : memref<100000x64xbf16, #tpu.memory_space<hbm>> -> memref<100000x64xbf16, #tpu.memory_space<hbm>>
    tpu.enqueue_indirect_dma source(%dma_start3A_41 : memref<100000x64xbf16, #tpu.memory_space<hbm>>) target(%arg7 : memref<800x64xbf16, #tpu.memory_space<vmem>>) offsets(%dma_start3A_38 : memref<800xi32, #tpu.memory_space<vmem>>) semaphore(%arg11 : memref<!tpu.dma_semaphore, #tpu.memory_space<semaphore_mem>>)
    %scan3A = arith.constant 0 : i32
    %scan3A_42 = arith.constant 0 : i32
    %scan3A_43 = arith.constant 16 : i32
    %scan3A_44 = arith.addi %scan3A_42, %scan3A_43 : i32
    %scan3A_45 = arith.constant 1 : i32
    scf.for %scan3A_48 = %scan3A_42 to %scan3A_44 step %scan3A_45  : i32 {
      %mul3A_49 = arith.constant 2 : i32
      %mul3A_50 = arith.muli %scan3A_48, %mul3A_49 : i32
      %add3A_51 = arith.constant 1 : i32
      %add3A_52 = arith.addi %mul3A_50, %add3A_51 : i32
      %mul3A_53 = arith.constant 800 : i32
      %mul3A_54 = arith.muli %add3A_52, %mul3A_53 : i32
      %dma_start3A_55 = tpu.memref_slice %arg6[%mul3A_54] : memref<25600xi32, #tpu.memory_space<vmem>> -> memref<800xi32, #tpu.memory_space<vmem>>
      %dma_start3A_56 = arith.constant 0 : i32
      %dma_start3A_57 = arith.constant 0 : i32
      %dma_start3A_58 = tpu.memref_slice %arg3[%dma_start3A_56, %dma_start3A_57] : memref<100000x64xbf16, #tpu.memory_space<hbm>> -> memref<100000x64xbf16, #tpu.memory_space<hbm>>
      tpu.enqueue_indirect_dma source(%dma_start3A_58 : memref<100000x64xbf16, #tpu.memory_space<hbm>>) target(%arg8 : memref<800x64xbf16, #tpu.memory_space<vmem>>) offsets(%dma_start3A_55 : memref<800xi32, #tpu.memory_space<vmem>>) semaphore(%arg12 : memref<!tpu.dma_semaphore, #tpu.memory_space<semaphore_mem>>)
      %mul3A_59 = arith.constant 800 : i32
      %mul3A_60 = arith.muli %mul3A_50, %mul3A_59 : i32
      %dma_wait3A = tpu.memref_slice %arg6[%mul3A_60] : memref<25600xi32, #tpu.memory_space<vmem>> -> memref<800xi32, #tpu.memory_space<vmem>>
      %dma_wait3A_61 = arith.constant 0 : i32
      %dma_wait3A_62 = arith.constant 0 : i32
      %dma_wait3A_63 = tpu.memref_slice %arg3[%dma_wait3A_61, %dma_wait3A_62] : memref<100000x64xbf16, #tpu.memory_space<hbm>> -> memref<100000x64xbf16, #tpu.memory_space<hbm>>
      tpu.wait_indirect_dma semaphore(%arg11 : memref<!tpu.dma_semaphore, #tpu.memory_space<semaphore_mem>>) src(%dma_wait3A_63 : memref<100000x64xbf16, #tpu.memory_space<hbm>>) dst(%arg7 : memref<800x64xbf16, #tpu.memory_space<vmem>>)
      %mul3A_64 = arith.constant 16 : i32
      %mul3A_65 = arith.muli %mul3A_50, %mul3A_64 : i32
      %scan3A_66 = arith.constant 0 : i32
      %scan3A_67 = arith.constant 0 : i32
      %scan3A_68 = arith.constant 16 : i32
      %scan3A_69 = arith.addi %scan3A_67, %scan3A_68 : i32
      %scan3A_70 = arith.constant 1 : i32
      scf.for %scan3A_90 = %scan3A_67 to %scan3A_69 step %scan3A_70  : i32 {
        %mul3A_91 = arith.constant 50 : i32
        %mul3A_92 = arith.muli %scan3A_90, %mul3A_91 : i32
        %scan3A_93 = arith.constant 0 : i32
        %scan3A_94 = arith.constant 50 : i32
        %scan3A_95 = arith.addi %scan3A_93, %scan3A_94 : i32
        %scan3A_96 = arith.constant 10 : i32
        %scan3A_97:4 = scf.for %scan3A_100 = %scan3A_93 to %scan3A_95 step %scan3A_96 iter_args(%scan3A_101 = %gather3A, %scan3A_102 = %gather3A_35, %scan3A_103 = %gather3A_36, %scan3A_104 = %gather3A_37) -> (vector<16xf32>, vector<16xf32>, vector<16xf32>, vector<16xf32>)  : i32 {
          %add3A_105 = arith.addi %mul3A_92, %scan3A_100 : i32
          %get3A = arith.index_cast %add3A_105 : i32 to index
          %get3A_106 = arith.constant 0 : index
          %get3A_107 = tpu.vector_load %arg7[%get3A, %get3A_106] {strides = array<i32>} : memref<800x64xbf16, #tpu.memory_space<vmem>>, vector<32xbf16>,
          %unpack3A = tpu.unpack_subelements %get3A_107, 0 {pack_format = #tpu.pack_format<interleaved>} : vector<32xbf16> -> vector<16xf32>
          %unpack3A_108 = tpu.unpack_subelements %get3A_107, 1 {pack_format = #tpu.pack_format<interleaved>} : vector<32xbf16> -> vector<16xf32>
          %get3A_109 = arith.index_cast %add3A_105 : i32 to index
          %get3A_110 = arith.constant 32 : index
          %get3A_111 = tpu.vector_load %arg7[%get3A_109, %get3A_110] {strides = array<i32>} : memref<800x64xbf16, #tpu.memory_space<vmem>>, vector<32xbf16>,
          %unpack3A_112 = tpu.unpack_subelements %get3A_111, 0 {pack_format = #tpu.pack_format<interleaved>} : vector<32xbf16> -> vector<16xf32>
          %unpack3A_113 = tpu.unpack_subelements %get3A_111, 1 {pack_format = #tpu.pack_format<interleaved>} : vector<32xbf16> -> vector<16xf32>
          %add3A_114 = arith.addf %scan3A_101, %unpack3A : vector<16xf32>
          %add3A_115 = arith.addf %scan3A_102, %unpack3A_108 : vector<16xf32>
          %add3A_116 = arith.addf %scan3A_103, %unpack3A_112 : vector<16xf32>
          %add3A_117 = arith.addf %scan3A_104, %unpack3A_113 : vector<16xf32>
          %scan3A_118 = arith.constant 1 : i32
          %scan3A_119 = arith.addi %scan3A_100, %scan3A_118 : i32
          %add3A_120 = arith.addi %mul3A_92, %scan3A_119 : i32
          %get3A_121 = arith.index_cast %add3A_120 : i32 to index
          %get3A_122 = arith.constant 0 : index
          %get3A_123 = tpu.vector_load %arg7[%get3A_121, %get3A_122] {strides = array<i32>} : memref<800x64xbf16, #tpu.memory_space<vmem>>, vector<32xbf16>,
          %unpack3A_124 = tpu.unpack_subelements %get3A_123, 0 {pack_format = #tpu.pack_format<interleaved>} : vector<32xbf16> -> vector<16xf32>
          %unpack3A_125 = tpu.unpack_subelements %get3A_123, 1 {pack_format = #tpu.pack_format<interleaved>} : vector<32xbf16> -> vector<16xf32>
          %get3A_126 = arith.index_cast %add3A_120 : i32 to index
          %get3A_127 = arith.constant 32 : index
          %get3A_128 = tpu.vector_load %arg7[%get3A_126, %get3A_127] {strides = array<i32>} : memref<800x64xbf16, #tpu.memory_space<vmem>>, vector<32xbf16>,
          %unpack3A_129 = tpu.unpack_subelements %get3A_128, 0 {pack_format = #tpu.pack_format<interleaved>} : vector<32xbf16> -> vector<16xf32>
          %unpack3A_130 = tpu.unpack_subelements %get3A_128, 1 {pack_format = #tpu.pack_format<interleaved>} : vector<32xbf16> -> vector<16xf32>
          %add3A_131 = arith.addf %add3A_114, %unpack3A_124 : vector<16xf32>
          %add3A_132 = arith.addf %add3A_115, %unpack3A_125 : vector<16xf32>
          %add3A_133 = arith.addf %add3A_116, %unpack3A_129 : vector<16xf32>
          %add3A_134 = arith.addf %add3A_117, %unpack3A_130 : vector<16xf32>
          %scan3A_135 = arith.constant 2 : i32
          %scan3A_136 = arith.addi %scan3A_100, %scan3A_135 : i32
          %add3A_137 = arith.addi %mul3A_92, %scan3A_136 : i32
          %get3A_138 = arith.index_cast %add3A_137 : i32 to index
          %get3A_139 = arith.constant 0 : index
          %get3A_140 = tpu.vector_load %arg7[%get3A_138, %get3A_139] {strides = array<i32>} : memref<800x64xbf16, #tpu.memory_space<vmem>>, vector<32xbf16>,
          %unpack3A_141 = tpu.unpack_subelements %get3A_140, 0 {pack_format = #tpu.pack_format<interleaved>} : vector<32xbf16> -> vector<16xf32>
          %unpack3A_142 = tpu.unpack_subelements %get3A_140, 1 {pack_format = #tpu.pack_format<interleaved>} : vector<32xbf16> -> vector<16xf32>
          %get3A_143 = arith.index_cast %add3A_137 : i32 to index
          %get3A_144 = arith.constant 32 : index
          %get3A_145 = tpu.vector_load %arg7[%get3A_143, %get3A_144] {strides = array<i32>} : memref<800x64xbf16, #tpu.memory_space<vmem>>, vector<32xbf16>,
          %unpack3A_146 = tpu.unpack_subelements %get3A_145, 0 {pack_format = #tpu.pack_format<interleaved>} : vector<32xbf16> -> vector<16xf32>
          %unpack3A_147 = tpu.unpack_subelements %get3A_145, 1 {pack_format = #tpu.pack_format<interleaved>} : vector<32xbf16> -> vector<16xf32>
          %add3A_148 = arith.addf %add3A_131, %unpack3A_141 : vector<16xf32>
          %add3A_149 = arith.addf %add3A_132, %unpack3A_142 : vector<16xf32>
          %add3A_150 = arith.addf %add3A_133, %unpack3A_146 : vector<16xf32>
          %add3A_151 = arith.addf %add3A_134, %unpack3A_147 : vector<16xf32>
          %scan3A_152 = arith.constant 3 : i32
          %scan3A_153 = arith.addi %scan3A_100, %scan3A_152 : i32
          %add3A_154 = arith.addi %mul3A_92, %scan3A_153 : i32
          %get3A_155 = arith.index_cast %add3A_154 : i32 to index
          %get3A_156 = arith.constant 0 : index
          %get3A_157 = tpu.vector_load %arg7[%get3A_155, %get3A_156] {strides = array<i32>} : memref<800x64xbf16, #tpu.memory_space<vmem>>, vector<32xbf16>,
          %unpack3A_158 = tpu.unpack_subelements %get3A_157, 0 {pack_format = #tpu.pack_format<interleaved>} : vector<32xbf16> -> vector<16xf32>
          %unpack3A_159 = tpu.unpack_subelements %get3A_157, 1 {pack_format = #tpu.pack_format<interleaved>} : vector<32xbf16> -> vector<16xf32>
          %get3A_160 = arith.index_cast %add3A_154 : i32 to index
          %get3A_161 = arith.constant 32 : index
          %get3A_162 = tpu.vector_load %arg7[%get3A_160, %get3A_161] {strides = array<i32>} : memref<800x64xbf16, #tpu.memory_space<vmem>>, vector<32xbf16>,
          %unpack3A_163 = tpu.unpack_subelements %get3A_162, 0 {pack_format = #tpu.pack_format<interleaved>} : vector<32xbf16> -> vector<16xf32>
          %unpack3A_164 = tpu.unpack_subelements %get3A_162, 1 {pack_format = #tpu.pack_format<interleaved>} : vector<32xbf16> -> vector<16xf32>
          %add3A_165 = arith.addf %add3A_148, %unpack3A_158 : vector<16xf32>
          %add3A_166 = arith.addf %add3A_149, %unpack3A_159 : vector<16xf32>
          %add3A_167 = arith.addf %add3A_150, %unpack3A_163 : vector<16xf32>
          %add3A_168 = arith.addf %add3A_151, %unpack3A_164 : vector<16xf32>
          %scan3A_169 = arith.constant 4 : i32
          %scan3A_170 = arith.addi %scan3A_100, %scan3A_169 : i32
          %add3A_171 = arith.addi %mul3A_92, %scan3A_170 : i32
          %get3A_172 = arith.index_cast %add3A_171 : i32 to index
          %get3A_173 = arith.constant 0 : index
          %get3A_174 = tpu.vector_load %arg7[%get3A_172, %get3A_173] {strides = array<i32>} : memref<800x64xbf16, #tpu.memory_space<vmem>>, vector<32xbf16>,
          %unpack3A_175 = tpu.unpack_subelements %get3A_174, 0 {pack_format = #tpu.pack_format<interleaved>} : vector<32xbf16> -> vector<16xf32>
          %unpack3A_176 = tpu.unpack_subelements %get3A_174, 1 {pack_format = #tpu.pack_format<interleaved>} : vector<32xbf16> -> vector<16xf32>
          %get3A_177 = arith.index_cast %add3A_171 : i32 to index
          %get3A_178 = arith.constant 32 : index
          %get3A_179 = tpu.vector_load %arg7[%get3A_177, %get3A_178] {strides = array<i32>} : memref<800x64xbf16, #tpu.memory_space<vmem>>, vector<32xbf16>,
          %unpack3A_180 = tpu.unpack_subelements %get3A_179, 0 {pack_format = #tpu.pack_format<interleaved>} : vector<32xbf16> -> vector<16xf32>
          %unpack3A_181 = tpu.unpack_subelements %get3A_179, 1 {pack_format = #tpu.pack_format<interleaved>} : vector<32xbf16> -> vector<16xf32>
          %add3A_182 = arith.addf %add3A_165, %unpack3A_175 : vector<16xf32>
          %add3A_183 = arith.addf %add3A_166, %unpack3A_176 : vector<16xf32>
          %add3A_184 = arith.addf %add3A_167, %unpack3A_180 : vector<16xf32>
          %add3A_185 = arith.addf %add3A_168, %unpack3A_181 : vector<16xf32>
          %scan3A_186 = arith.constant 5 : i32
          %scan3A_187 = arith.addi %scan3A_100, %scan3A_186 : i32
          %add3A_188 = arith.addi %mul3A_92, %scan3A_187 : i32
          %get3A_189 = arith.index_cast %add3A_188 : i32 to index
          %get3A_190 = arith.constant 0 : index
          %get3A_191 = tpu.vector_load %arg7[%get3A_189, %get3A_190] {strides = array<i32>} : memref<800x64xbf16, #tpu.memory_space<vmem>>, vector<32xbf16>,
          %unpack3A_192 = tpu.unpack_subelements %get3A_191, 0 {pack_format = #tpu.pack_format<interleaved>} : vector<32xbf16> -> vector<16xf32>
          %unpack3A_193 = tpu.unpack_subelements %get3A_191, 1 {pack_format = #tpu.pack_format<interleaved>} : vector<32xbf16> -> vector<16xf32>
          %get3A_194 = arith.index_cast %add3A_188 : i32 to index
          %get3A_195 = arith.constant 32 : index
          %get3A_196 = tpu.vector_load %arg7[%get3A_194, %get3A_195] {strides = array<i32>} : memref<800x64xbf16, #tpu.memory_space<vmem>>, vector<32xbf16>,
          %unpack3A_197 = tpu.unpack_subelements %get3A_196, 0 {pack_format = #tpu.pack_format<interleaved>} : vector<32xbf16> -> vector<16xf32>
          %unpack3A_198 = tpu.unpack_subelements %get3A_196, 1 {pack_format = #tpu.pack_format<interleaved>} : vector<32xbf16> -> vector<16xf32>
          %add3A_199 = arith.addf %add3A_182, %unpack3A_192 : vector<16xf32>
          %add3A_200 = arith.addf %add3A_183, %unpack3A_193 : vector<16xf32>
          %add3A_201 = arith.addf %add3A_184, %unpack3A_197 : vector<16xf32>
          %add3A_202 = arith.addf %add3A_185, %unpack3A_198 : vector<16xf32>
          %scan3A_203 = arith.constant 6 : i32
          %scan3A_204 = arith.addi %scan3A_100, %scan3A_203 : i32
          %add3A_205 = arith.addi %mul3A_92, %scan3A_204 : i32
          %get3A_206 = arith.index_cast %add3A_205 : i32 to index
          %get3A_207 = arith.constant 0 : index
          %get3A_208 = tpu.vector_load %arg7[%get3A_206, %get3A_207] {strides = array<i32>} : memref<800x64xbf16, #tpu.memory_space<vmem>>, vector<32xbf16>,
          %unpack3A_209 = tpu.unpack_subelements %get3A_208, 0 {pack_format = #tpu.pack_format<interleaved>} : vector<32xbf16> -> vector<16xf32>
          %unpack3A_210 = tpu.unpack_subelements %get3A_208, 1 {pack_format = #tpu.pack_format<interleaved>} : vector<32xbf16> -> vector<16xf32>
          %get3A_211 = arith.index_cast %add3A_205 : i32 to index
          %get3A_212 = arith.constant 32 : index
          %get3A_213 = tpu.vector_load %arg7[%get3A_211, %get3A_212] {strides = array<i32>} : memref<800x64xbf16, #tpu.memory_space<vmem>>, vector<32xbf16>,
          %unpack3A_214 = tpu.unpack_subelements %get3A_213, 0 {pack_format = #tpu.pack_format<interleaved>} : vector<32xbf16> -> vector<16xf32>
          %unpack3A_215 = tpu.unpack_subelements %get3A_213, 1 {pack_format = #tpu.pack_format<interleaved>} : vector<32xbf16> -> vector<16xf32>
          %add3A_216 = arith.addf %add3A_199, %unpack3A_209 : vector<16xf32>
          %add3A_217 = arith.addf %add3A_200, %unpack3A_210 : vector<16xf32>
          %add3A_218 = arith.addf %add3A_201, %unpack3A_214 : vector<16xf32>
          %add3A_219 = arith.addf %add3A_202, %unpack3A_215 : vector<16xf32>
          %scan3A_220 = arith.constant 7 : i32
          %scan3A_221 = arith.addi %scan3A_100, %scan3A_220 : i32
          %add3A_222 = arith.addi %mul3A_92, %scan3A_221 : i32
          %get3A_223 = arith.index_cast %add3A_222 : i32 to index
          %get3A_224 = arith.constant 0 : index
          %get3A_225 = tpu.vector_load %arg7[%get3A_223, %get3A_224] {strides = array<i32>} : memref<800x64xbf16, #tpu.memory_space<vmem>>, vector<32xbf16>,
          %unpack3A_226 = tpu.unpack_subelements %get3A_225, 0 {pack_format = #tpu.pack_format<interleaved>} : vector<32xbf16> -> vector<16xf32>
          %unpack3A_227 = tpu.unpack_subelements %get3A_225, 1 {pack_format = #tpu.pack_format<interleaved>} : vector<32xbf16> -> vector<16xf32>
          %get3A_228 = arith.index_cast %add3A_222 : i32 to index
          %get3A_229 = arith.constant 32 : index
          %get3A_230 = tpu.vector_load %arg7[%get3A_228, %get3A_229] {strides = array<i32>} : memref<800x64xbf16, #tpu.memory_space<vmem>>, vector<32xbf16>,
          %unpack3A_231 = tpu.unpack_subelements %get3A_230, 0 {pack_format = #tpu.pack_format<interleaved>} : vector<32xbf16> -> vector<16xf32>
          %unpack3A_232 = tpu.unpack_subelements %get3A_230, 1 {pack_format = #tpu.pack_format<interleaved>} : vector<32xbf16> -> vector<16xf32>
          %add3A_233 = arith.addf %add3A_216, %unpack3A_226 : vector<16xf32>
          %add3A_234 = arith.addf %add3A_217, %unpack3A_227 : vector<16xf32>
          %add3A_235 = arith.addf %add3A_218, %unpack3A_231 : vector<16xf32>
          %add3A_236 = arith.addf %add3A_219, %unpack3A_232 : vector<16xf32>
          %scan3A_237 = arith.constant 8 : i32
          %scan3A_238 = arith.addi %scan3A_100, %scan3A_237 : i32
          %add3A_239 = arith.addi %mul3A_92, %scan3A_238 : i32
          %get3A_240 = arith.index_cast %add3A_239 : i32 to index
          %get3A_241 = arith.constant 0 : index
          %get3A_242 = tpu.vector_load %arg7[%get3A_240, %get3A_241] {strides = array<i32>} : memref<800x64xbf16, #tpu.memory_space<vmem>>, vector<32xbf16>,
          %unpack3A_243 = tpu.unpack_subelements %get3A_242, 0 {pack_format = #tpu.pack_format<interleaved>} : vector<32xbf16> -> vector<16xf32>
          %unpack3A_244 = tpu.unpack_subelements %get3A_242, 1 {pack_format = #tpu.pack_format<interleaved>} : vector<32xbf16> -> vector<16xf32>
          %get3A_245 = arith.index_cast %add3A_239 : i32 to index
          %get3A_246 = arith.constant 32 : index
          %get3A_247 = tpu.vector_load %arg7[%get3A_245, %get3A_246] {strides = array<i32>} : memref<800x64xbf16, #tpu.memory_space<vmem>>, vector<32xbf16>,
          %unpack3A_248 = tpu.unpack_subelements %get3A_247, 0 {pack_format = #tpu.pack_format<interleaved>} : vector<32xbf16> -> vector<16xf32>
          %unpack3A_249 = tpu.unpack_subelements %get3A_247, 1 {pack_format = #tpu.pack_format<interleaved>} : vector<32xbf16> -> vector<16xf32>
          %add3A_250 = arith.addf %add3A_233, %unpack3A_243 : vector<16xf32>
          %add3A_251 = arith.addf %add3A_234, %unpack3A_244 : vector<16xf32>
          %add3A_252 = arith.addf %add3A_235, %unpack3A_248 : vector<16xf32>
          %add3A_253 = arith.addf %add3A_236, %unpack3A_249 : vector<16xf32>
          %scan3A_254 = arith.constant 9 : i32
          %scan3A_255 = arith.addi %scan3A_100, %scan3A_254 : i32
          %add3A_256 = arith.addi %mul3A_92, %scan3A_255 : i32
          %get3A_257 = arith.index_cast %add3A_256 : i32 to index
          %get3A_258 = arith.constant 0 : index
          %get3A_259 = tpu.vector_load %arg7[%get3A_257, %get3A_258] {strides = array<i32>} : memref<800x64xbf16, #tpu.memory_space<vmem>>, vector<32xbf16>,
          %unpack3A_260 = tpu.unpack_subelements %get3A_259, 0 {pack_format = #tpu.pack_format<interleaved>} : vector<32xbf16> -> vector<16xf32>
          %unpack3A_261 = tpu.unpack_subelements %get3A_259, 1 {pack_format = #tpu.pack_format<interleaved>} : vector<32xbf16> -> vector<16xf32>
          %get3A_262 = arith.index_cast %add3A_256 : i32 to index
          %get3A_263 = arith.constant 32 : index
          %get3A_264 = tpu.vector_load %arg7[%get3A_262, %get3A_263] {strides = array<i32>} : memref<800x64xbf16, #tpu.memory_space<vmem>>, vector<32xbf16>,
          %unpack3A_265 = tpu.unpack_subelements %get3A_264, 0 {pack_format = #tpu.pack_format<interleaved>} : vector<32xbf16> -> vector<16xf32>
          %unpack3A_266 = tpu.unpack_subelements %get3A_264, 1 {pack_format = #tpu.pack_format<interleaved>} : vector<32xbf16> -> vector<16xf32>
          %add3A_267 = arith.addf %add3A_250, %unpack3A_260 : vector<16xf32>
          %add3A_268 = arith.addf %add3A_251, %unpack3A_261 : vector<16xf32>
          %add3A_269 = arith.addf %add3A_252, %unpack3A_265 : vector<16xf32>
          %add3A_270 = arith.addf %add3A_253, %unpack3A_266 : vector<16xf32>
          scf.yield %add3A_267, %add3A_268, %add3A_269, %add3A_270 : vector<16xf32>, vector<16xf32>, vector<16xf32>, vector<16xf32>
        }
        %scan3A_98 = arith.constant 50 : i32
        %add3A_99 = arith.addi %mul3A_65, %scan3A_90 : i32
        %broadcast_in_dim3A = vector.broadcast %add3A_99 : i32 to vector<16xi32>
        tpu.vector_store_idx %arg10[%broadcast_in_dim3A, %add3A_10], %scan3A_97#0 : memref<512x64xf32, #tpu.memory_space<vmem>>[vector<16xi32>, vector<16xi32>], vector<16xf32>,
        tpu.vector_store_idx %arg10[%broadcast_in_dim3A, %add3A_19], %scan3A_97#1 : memref<512x64xf32, #tpu.memory_space<vmem>>[vector<16xi32>, vector<16xi32>], vector<16xf32>,
        tpu.vector_store_idx %arg10[%broadcast_in_dim3A, %add3A_25], %scan3A_97#2 : memref<512x64xf32, #tpu.memory_space<vmem>>[vector<16xi32>, vector<16xi32>], vector<16xf32>,
        tpu.vector_store_idx %arg10[%broadcast_in_dim3A, %add3A_34], %scan3A_97#3 : memref<512x64xf32, #tpu.memory_space<vmem>>[vector<16xi32>, vector<16xi32>], vector<16xf32>,
      }
      %scan3A_71 = arith.constant 16 : i32
      %add3A_72 = arith.constant 1 : i32
      %add3A_73 = arith.addi %add3A_52, %add3A_72 : i32
      %lt3A = arith.constant 32 : i32
      %lt3A_74 = arith.cmpi slt, %add3A_73, %lt3A : i32
      %convert_element_type3A = arith.extui %lt3A_74 : i1 to i32
      %cond3A = arith.constant 0 : i32
      %cond3A_75 = arith.cmpi ne, %convert_element_type3A, %cond3A : i32
      scf.if %cond3A_75 {
        %add3A_90 = arith.constant 1 : i32
        %add3A_91 = arith.addi %add3A_52, %add3A_90 : i32
        %mul3A_92 = arith.constant 800 : i32
        %mul3A_93 = arith.muli %add3A_91, %mul3A_92 : i32
        %dma_start3A_94 = tpu.memref_slice %arg6[%mul3A_93] : memref<25600xi32, #tpu.memory_space<vmem>> -> memref<800xi32, #tpu.memory_space<vmem>>
        %dma_start3A_95 = arith.constant 0 : i32
        %dma_start3A_96 = arith.constant 0 : i32
        %dma_start3A_97 = tpu.memref_slice %arg3[%dma_start3A_95, %dma_start3A_96] : memref<100000x64xbf16, #tpu.memory_space<hbm>> -> memref<100000x64xbf16, #tpu.memory_space<hbm>>
        tpu.enqueue_indirect_dma source(%dma_start3A_97 : memref<100000x64xbf16, #tpu.memory_space<hbm>>) target(%arg7 : memref<800x64xbf16, #tpu.memory_space<vmem>>) offsets(%dma_start3A_94 : memref<800xi32, #tpu.memory_space<vmem>>) semaphore(%arg11 : memref<!tpu.dma_semaphore, #tpu.memory_space<semaphore_mem>>)
      } else {
      }
      %mul3A_76 = arith.constant 800 : i32
      %mul3A_77 = arith.muli %add3A_52, %mul3A_76 : i32
      %dma_wait3A_78 = tpu.memref_slice %arg6[%mul3A_77] : memref<25600xi32, #tpu.memory_space<vmem>> -> memref<800xi32, #tpu.memory_space<vmem>>
      %dma_wait3A_79 = arith.constant 0 : i32
      %dma_wait3A_80 = arith.constant 0 : i32
      %dma_wait3A_81 = tpu.memref_slice %arg3[%dma_wait3A_79, %dma_wait3A_80] : memref<100000x64xbf16, #tpu.memory_space<hbm>> -> memref<100000x64xbf16, #tpu.memory_space<hbm>>
      tpu.wait_indirect_dma semaphore(%arg12 : memref<!tpu.dma_semaphore, #tpu.memory_space<semaphore_mem>>) src(%dma_wait3A_81 : memref<100000x64xbf16, #tpu.memory_space<hbm>>) dst(%arg8 : memref<800x64xbf16, #tpu.memory_space<vmem>>)
      %mul3A_82 = arith.constant 16 : i32
      %mul3A_83 = arith.muli %add3A_52, %mul3A_82 : i32
      %scan3A_84 = arith.constant 0 : i32
      %scan3A_85 = arith.constant 0 : i32
      %scan3A_86 = arith.constant 16 : i32
      %scan3A_87 = arith.addi %scan3A_85, %scan3A_86 : i32
      %scan3A_88 = arith.constant 1 : i32
      scf.for %scan3A_90 = %scan3A_85 to %scan3A_87 step %scan3A_88  : i32 {
        %mul3A_91 = arith.constant 50 : i32
        %mul3A_92 = arith.muli %scan3A_90, %mul3A_91 : i32
        %scan3A_93 = arith.constant 0 : i32
        %scan3A_94 = arith.constant 50 : i32
        %scan3A_95 = arith.addi %scan3A_93, %scan3A_94 : i32
        %scan3A_96 = arith.constant 10 : i32
        %scan3A_97:4 = scf.for %scan3A_100 = %scan3A_93 to %scan3A_95 step %scan3A_96 iter_args(%scan3A_101 = %gather3A, %scan3A_102 = %gather3A_35, %scan3A_103 = %gather3A_36, %scan3A_104 = %gather3A_37) -> (vector<16xf32>, vector<16xf32>, vector<16xf32>, vector<16xf32>)  : i32 {
          %add3A_105 = arith.addi %mul3A_92, %scan3A_100 : i32
          %get3A = arith.index_cast %add3A_105 : i32 to index
          %get3A_106 = arith.constant 0 : index
          %get3A_107 = tpu.vector_load %arg8[%get3A, %get3A_106] {strides = array<i32>} : memref<800x64xbf16, #tpu.memory_space<vmem>>, vector<32xbf16>,
          %unpack3A = tpu.unpack_subelements %get3A_107, 0 {pack_format = #tpu.pack_format<interleaved>} : vector<32xbf16> -> vector<16xf32>
          %unpack3A_108 = tpu.unpack_subelements %get3A_107, 1 {pack_format = #tpu.pack_format<interleaved>} : vector<32xbf16> -> vector<16xf32>
          %get3A_109 = arith.index_cast %add3A_105 : i32 to index
          %get3A_110 = arith.constant 32 : index
          %get3A_111 = tpu.vector_load %arg8[%get3A_109, %get3A_110] {strides = array<i32>} : memref<800x64xbf16, #tpu.memory_space<vmem>>, vector<32xbf16>,
          %unpack3A_112 = tpu.unpack_subelements %get3A_111, 0 {pack_format = #tpu.pack_format<interleaved>} : vector<32xbf16> -> vector<16xf32>
          %unpack3A_113 = tpu.unpack_subelements %get3A_111, 1 {pack_format = #tpu.pack_format<interleaved>} : vector<32xbf16> -> vector<16xf32>
          %add3A_114 = arith.addf %scan3A_101, %unpack3A : vector<16xf32>
          %add3A_115 = arith.addf %scan3A_102, %unpack3A_108 : vector<16xf32>
          %add3A_116 = arith.addf %scan3A_103, %unpack3A_112 : vector<16xf32>
          %add3A_117 = arith.addf %scan3A_104, %unpack3A_113 : vector<16xf32>
          %scan3A_118 = arith.constant 1 : i32
          %scan3A_119 = arith.addi %scan3A_100, %scan3A_118 : i32
          %add3A_120 = arith.addi %mul3A_92, %scan3A_119 : i32
          %get3A_121 = arith.index_cast %add3A_120 : i32 to index
          %get3A_122 = arith.constant 0 : index
          %get3A_123 = tpu.vector_load %arg8[%get3A_121, %get3A_122] {strides = array<i32>} : memref<800x64xbf16, #tpu.memory_space<vmem>>, vector<32xbf16>,
          %unpack3A_124 = tpu.unpack_subelements %get3A_123, 0 {pack_format = #tpu.pack_format<interleaved>} : vector<32xbf16> -> vector<16xf32>
          %unpack3A_125 = tpu.unpack_subelements %get3A_123, 1 {pack_format = #tpu.pack_format<interleaved>} : vector<32xbf16> -> vector<16xf32>
          %get3A_126 = arith.index_cast %add3A_120 : i32 to index
          %get3A_127 = arith.constant 32 : index
          %get3A_128 = tpu.vector_load %arg8[%get3A_126, %get3A_127] {strides = array<i32>} : memref<800x64xbf16, #tpu.memory_space<vmem>>, vector<32xbf16>,
          %unpack3A_129 = tpu.unpack_subelements %get3A_128, 0 {pack_format = #tpu.pack_format<interleaved>} : vector<32xbf16> -> vector<16xf32>
          %unpack3A_130 = tpu.unpack_subelements %get3A_128, 1 {pack_format = #tpu.pack_format<interleaved>} : vector<32xbf16> -> vector<16xf32>
          %add3A_131 = arith.addf %add3A_114, %unpack3A_124 : vector<16xf32>
          %add3A_132 = arith.addf %add3A_115, %unpack3A_125 : vector<16xf32>
          %add3A_133 = arith.addf %add3A_116, %unpack3A_129 : vector<16xf32>
          %add3A_134 = arith.addf %add3A_117, %unpack3A_130 : vector<16xf32>
          %scan3A_135 = arith.constant 2 : i32
          %scan3A_136 = arith.addi %scan3A_100, %scan3A_135 : i32
          %add3A_137 = arith.addi %mul3A_92, %scan3A_136 : i32
          %get3A_138 = arith.index_cast %add3A_137 : i32 to index
          %get3A_139 = arith.constant 0 : index
          %get3A_140 = tpu.vector_load %arg8[%get3A_138, %get3A_139] {strides = array<i32>} : memref<800x64xbf16, #tpu.memory_space<vmem>>, vector<32xbf16>,
          %unpack3A_141 = tpu.unpack_subelements %get3A_140, 0 {pack_format = #tpu.pack_format<interleaved>} : vector<32xbf16> -> vector<16xf32>
          %unpack3A_142 = tpu.unpack_subelements %get3A_140, 1 {pack_format = #tpu.pack_format<interleaved>} : vector<32xbf16> -> vector<16xf32>
          %get3A_143 = arith.index_cast %add3A_137 : i32 to index
          %get3A_144 = arith.constant 32 : index
          %get3A_145 = tpu.vector_load %arg8[%get3A_143, %get3A_144] {strides = array<i32>} : memref<800x64xbf16, #tpu.memory_space<vmem>>, vector<32xbf16>,
          %unpack3A_146 = tpu.unpack_subelements %get3A_145, 0 {pack_format = #tpu.pack_format<interleaved>} : vector<32xbf16> -> vector<16xf32>
          %unpack3A_147 = tpu.unpack_subelements %get3A_145, 1 {pack_format = #tpu.pack_format<interleaved>} : vector<32xbf16> -> vector<16xf32>
          %add3A_148 = arith.addf %add3A_131, %unpack3A_141 : vector<16xf32>
          %add3A_149 = arith.addf %add3A_132, %unpack3A_142 : vector<16xf32>
          %add3A_150 = arith.addf %add3A_133, %unpack3A_146 : vector<16xf32>
          %add3A_151 = arith.addf %add3A_134, %unpack3A_147 : vector<16xf32>
          %scan3A_152 = arith.constant 3 : i32
          %scan3A_153 = arith.addi %scan3A_100, %scan3A_152 : i32
          %add3A_154 = arith.addi %mul3A_92, %scan3A_153 : i32
          %get3A_155 = arith.index_cast %add3A_154 : i32 to index
          %get3A_156 = arith.constant 0 : index
          %get3A_157 = tpu.vector_load %arg8[%get3A_155, %get3A_156] {strides = array<i32>} : memref<800x64xbf16, #tpu.memory_space<vmem>>, vector<32xbf16>,
          %unpack3A_158 = tpu.unpack_subelements %get3A_157, 0 {pack_format = #tpu.pack_format<interleaved>} : vector<32xbf16> -> vector<16xf32>
          %unpack3A_159 = tpu.unpack_subelements %get3A_157, 1 {pack_format = #tpu.pack_format<interleaved>} : vector<32xbf16> -> vector<16xf32>
          %get3A_160 = arith.index_cast %add3A_154 : i32 to index
          %get3A_161 = arith.constant 32 : index
          %get3A_162 = tpu.vector_load %arg8[%get3A_160, %get3A_161] {strides = array<i32>} : memref<800x64xbf16, #tpu.memory_space<vmem>>, vector<32xbf16>,
          %unpack3A_163 = tpu.unpack_subelements %get3A_162, 0 {pack_format = #tpu.pack_format<interleaved>} : vector<32xbf16> -> vector<16xf32>
          %unpack3A_164 = tpu.unpack_subelements %get3A_162, 1 {pack_format = #tpu.pack_format<interleaved>} : vector<32xbf16> -> vector<16xf32>
          %add3A_165 = arith.addf %add3A_148, %unpack3A_158 : vector<16xf32>
          %add3A_166 = arith.addf %add3A_149, %unpack3A_159 : vector<16xf32>
          %add3A_167 = arith.addf %add3A_150, %unpack3A_163 : vector<16xf32>
          %add3A_168 = arith.addf %add3A_151, %unpack3A_164 : vector<16xf32>
          %scan3A_169 = arith.constant 4 : i32
          %scan3A_170 = arith.addi %scan3A_100, %scan3A_169 : i32
          %add3A_171 = arith.addi %mul3A_92, %scan3A_170 : i32
          %get3A_172 = arith.index_cast %add3A_171 : i32 to index
          %get3A_173 = arith.constant 0 : index
          %get3A_174 = tpu.vector_load %arg8[%get3A_172, %get3A_173] {strides = array<i32>} : memref<800x64xbf16, #tpu.memory_space<vmem>>, vector<32xbf16>,
          %unpack3A_175 = tpu.unpack_subelements %get3A_174, 0 {pack_format = #tpu.pack_format<interleaved>} : vector<32xbf16> -> vector<16xf32>
          %unpack3A_176 = tpu.unpack_subelements %get3A_174, 1 {pack_format = #tpu.pack_format<interleaved>} : vector<32xbf16> -> vector<16xf32>
          %get3A_177 = arith.index_cast %add3A_171 : i32 to index
          %get3A_178 = arith.constant 32 : index
          %get3A_179 = tpu.vector_load %arg8[%get3A_177, %get3A_178] {strides = array<i32>} : memref<800x64xbf16, #tpu.memory_space<vmem>>, vector<32xbf16>,
          %unpack3A_180 = tpu.unpack_subelements %get3A_179, 0 {pack_format = #tpu.pack_format<interleaved>} : vector<32xbf16> -> vector<16xf32>
          %unpack3A_181 = tpu.unpack_subelements %get3A_179, 1 {pack_format = #tpu.pack_format<interleaved>} : vector<32xbf16> -> vector<16xf32>
          %add3A_182 = arith.addf %add3A_165, %unpack3A_175 : vector<16xf32>
          %add3A_183 = arith.addf %add3A_166, %unpack3A_176 : vector<16xf32>
          %add3A_184 = arith.addf %add3A_167, %unpack3A_180 : vector<16xf32>
          %add3A_185 = arith.addf %add3A_168, %unpack3A_181 : vector<16xf32>
          %scan3A_186 = arith.constant 5 : i32
          %scan3A_187 = arith.addi %scan3A_100, %scan3A_186 : i32
          %add3A_188 = arith.addi %mul3A_92, %scan3A_187 : i32
          %get3A_189 = arith.index_cast %add3A_188 : i32 to index
          %get3A_190 = arith.constant 0 : index
          %get3A_191 = tpu.vector_load %arg8[%get3A_189, %get3A_190] {strides = array<i32>} : memref<800x64xbf16, #tpu.memory_space<vmem>>, vector<32xbf16>,
          %unpack3A_192 = tpu.unpack_subelements %get3A_191, 0 {pack_format = #tpu.pack_format<interleaved>} : vector<32xbf16> -> vector<16xf32>
          %unpack3A_193 = tpu.unpack_subelements %get3A_191, 1 {pack_format = #tpu.pack_format<interleaved>} : vector<32xbf16> -> vector<16xf32>
          %get3A_194 = arith.index_cast %add3A_188 : i32 to index
          %get3A_195 = arith.constant 32 : index
          %get3A_196 = tpu.vector_load %arg8[%get3A_194, %get3A_195] {strides = array<i32>} : memref<800x64xbf16, #tpu.memory_space<vmem>>, vector<32xbf16>,
          %unpack3A_197 = tpu.unpack_subelements %get3A_196, 0 {pack_format = #tpu.pack_format<interleaved>} : vector<32xbf16> -> vector<16xf32>
          %unpack3A_198 = tpu.unpack_subelements %get3A_196, 1 {pack_format = #tpu.pack_format<interleaved>} : vector<32xbf16> -> vector<16xf32>
          %add3A_199 = arith.addf %add3A_182, %unpack3A_192 : vector<16xf32>
          %add3A_200 = arith.addf %add3A_183, %unpack3A_193 : vector<16xf32>
          %add3A_201 = arith.addf %add3A_184, %unpack3A_197 : vector<16xf32>
          %add3A_202 = arith.addf %add3A_185, %unpack3A_198 : vector<16xf32>
          %scan3A_203 = arith.constant 6 : i32
          %scan3A_204 = arith.addi %scan3A_100, %scan3A_203 : i32
          %add3A_205 = arith.addi %mul3A_92, %scan3A_204 : i32
          %get3A_206 = arith.index_cast %add3A_205 : i32 to index
          %get3A_207 = arith.constant 0 : index
          %get3A_208 = tpu.vector_load %arg8[%get3A_206, %get3A_207] {strides = array<i32>} : memref<800x64xbf16, #tpu.memory_space<vmem>>, vector<32xbf16>,
          %unpack3A_209 = tpu.unpack_subelements %get3A_208, 0 {pack_format = #tpu.pack_format<interleaved>} : vector<32xbf16> -> vector<16xf32>
          %unpack3A_210 = tpu.unpack_subelements %get3A_208, 1 {pack_format = #tpu.pack_format<interleaved>} : vector<32xbf16> -> vector<16xf32>
          %get3A_211 = arith.index_cast %add3A_205 : i32 to index
          %get3A_212 = arith.constant 32 : index
          %get3A_213 = tpu.vector_load %arg8[%get3A_211, %get3A_212] {strides = array<i32>} : memref<800x64xbf16, #tpu.memory_space<vmem>>, vector<32xbf16>,
          %unpack3A_214 = tpu.unpack_subelements %get3A_213, 0 {pack_format = #tpu.pack_format<interleaved>} : vector<32xbf16> -> vector<16xf32>
          %unpack3A_215 = tpu.unpack_subelements %get3A_213, 1 {pack_format = #tpu.pack_format<interleaved>} : vector<32xbf16> -> vector<16xf32>
          %add3A_216 = arith.addf %add3A_199, %unpack3A_209 : vector<16xf32>
          %add3A_217 = arith.addf %add3A_200, %unpack3A_210 : vector<16xf32>
          %add3A_218 = arith.addf %add3A_201, %unpack3A_214 : vector<16xf32>
          %add3A_219 = arith.addf %add3A_202, %unpack3A_215 : vector<16xf32>
          %scan3A_220 = arith.constant 7 : i32
          %scan3A_221 = arith.addi %scan3A_100, %scan3A_220 : i32
          %add3A_222 = arith.addi %mul3A_92, %scan3A_221 : i32
          %get3A_223 = arith.index_cast %add3A_222 : i32 to index
          %get3A_224 = arith.constant 0 : index
          %get3A_225 = tpu.vector_load %arg8[%get3A_223, %get3A_224] {strides = array<i32>} : memref<800x64xbf16, #tpu.memory_space<vmem>>, vector<32xbf16>,
          %unpack3A_226 = tpu.unpack_subelements %get3A_225, 0 {pack_format = #tpu.pack_format<interleaved>} : vector<32xbf16> -> vector<16xf32>
          %unpack3A_227 = tpu.unpack_subelements %get3A_225, 1 {pack_format = #tpu.pack_format<interleaved>} : vector<32xbf16> -> vector<16xf32>
          %get3A_228 = arith.index_cast %add3A_222 : i32 to index
          %get3A_229 = arith.constant 32 : index
          %get3A_230 = tpu.vector_load %arg8[%get3A_228, %get3A_229] {strides = array<i32>} : memref<800x64xbf16, #tpu.memory_space<vmem>>, vector<32xbf16>,
          %unpack3A_231 = tpu.unpack_subelements %get3A_230, 0 {pack_format = #tpu.pack_format<interleaved>} : vector<32xbf16> -> vector<16xf32>
          %unpack3A_232 = tpu.unpack_subelements %get3A_230, 1 {pack_format = #tpu.pack_format<interleaved>} : vector<32xbf16> -> vector<16xf32>
          %add3A_233 = arith.addf %add3A_216, %unpack3A_226 : vector<16xf32>
          %add3A_234 = arith.addf %add3A_217, %unpack3A_227 : vector<16xf32>
          %add3A_235 = arith.addf %add3A_218, %unpack3A_231 : vector<16xf32>
          %add3A_236 = arith.addf %add3A_219, %unpack3A_232 : vector<16xf32>
          %scan3A_237 = arith.constant 8 : i32
          %scan3A_238 = arith.addi %scan3A_100, %scan3A_237 : i32
          %add3A_239 = arith.addi %mul3A_92, %scan3A_238 : i32
          %get3A_240 = arith.index_cast %add3A_239 : i32 to index
          %get3A_241 = arith.constant 0 : index
          %get3A_242 = tpu.vector_load %arg8[%get3A_240, %get3A_241] {strides = array<i32>} : memref<800x64xbf16, #tpu.memory_space<vmem>>, vector<32xbf16>,
          %unpack3A_243 = tpu.unpack_subelements %get3A_242, 0 {pack_format = #tpu.pack_format<interleaved>} : vector<32xbf16> -> vector<16xf32>
          %unpack3A_244 = tpu.unpack_subelements %get3A_242, 1 {pack_format = #tpu.pack_format<interleaved>} : vector<32xbf16> -> vector<16xf32>
          %get3A_245 = arith.index_cast %add3A_239 : i32 to index
          %get3A_246 = arith.constant 32 : index
          %get3A_247 = tpu.vector_load %arg8[%get3A_245, %get3A_246] {strides = array<i32>} : memref<800x64xbf16, #tpu.memory_space<vmem>>, vector<32xbf16>,
          %unpack3A_248 = tpu.unpack_subelements %get3A_247, 0 {pack_format = #tpu.pack_format<interleaved>} : vector<32xbf16> -> vector<16xf32>
          %unpack3A_249 = tpu.unpack_subelements %get3A_247, 1 {pack_format = #tpu.pack_format<interleaved>} : vector<32xbf16> -> vector<16xf32>
          %add3A_250 = arith.addf %add3A_233, %unpack3A_243 : vector<16xf32>
          %add3A_251 = arith.addf %add3A_234, %unpack3A_244 : vector<16xf32>
          %add3A_252 = arith.addf %add3A_235, %unpack3A_248 : vector<16xf32>
          %add3A_253 = arith.addf %add3A_236, %unpack3A_249 : vector<16xf32>
          %scan3A_254 = arith.constant 9 : i32
          %scan3A_255 = arith.addi %scan3A_100, %scan3A_254 : i32
          %add3A_256 = arith.addi %mul3A_92, %scan3A_255 : i32
          %get3A_257 = arith.index_cast %add3A_256 : i32 to index
          %get3A_258 = arith.constant 0 : index
          %get3A_259 = tpu.vector_load %arg8[%get3A_257, %get3A_258] {strides = array<i32>} : memref<800x64xbf16, #tpu.memory_space<vmem>>, vector<32xbf16>,
          %unpack3A_260 = tpu.unpack_subelements %get3A_259, 0 {pack_format = #tpu.pack_format<interleaved>} : vector<32xbf16> -> vector<16xf32>
          %unpack3A_261 = tpu.unpack_subelements %get3A_259, 1 {pack_format = #tpu.pack_format<interleaved>} : vector<32xbf16> -> vector<16xf32>
          %get3A_262 = arith.index_cast %add3A_256 : i32 to index
          %get3A_263 = arith.constant 32 : index
          %get3A_264 = tpu.vector_load %arg8[%get3A_262, %get3A_263] {strides = array<i32>} : memref<800x64xbf16, #tpu.memory_space<vmem>>, vector<32xbf16>,
          %unpack3A_265 = tpu.unpack_subelements %get3A_264, 0 {pack_format = #tpu.pack_format<interleaved>} : vector<32xbf16> -> vector<16xf32>
          %unpack3A_266 = tpu.unpack_subelements %get3A_264, 1 {pack_format = #tpu.pack_format<interleaved>} : vector<32xbf16> -> vector<16xf32>
          %add3A_267 = arith.addf %add3A_250, %unpack3A_260 : vector<16xf32>
          %add3A_268 = arith.addf %add3A_251, %unpack3A_261 : vector<16xf32>
          %add3A_269 = arith.addf %add3A_252, %unpack3A_265 : vector<16xf32>
          %add3A_270 = arith.addf %add3A_253, %unpack3A_266 : vector<16xf32>
          scf.yield %add3A_267, %add3A_268, %add3A_269, %add3A_270 : vector<16xf32>, vector<16xf32>, vector<16xf32>, vector<16xf32>
        }
        %scan3A_98 = arith.constant 50 : i32
        %add3A_99 = arith.addi %mul3A_83, %scan3A_90 : i32
        %broadcast_in_dim3A = vector.broadcast %add3A_99 : i32 to vector<16xi32>
        tpu.vector_store_idx %arg10[%broadcast_in_dim3A, %add3A_10], %scan3A_97#0 : memref<512x64xf32, #tpu.memory_space<vmem>>[vector<16xi32>, vector<16xi32>], vector<16xf32>,
        tpu.vector_store_idx %arg10[%broadcast_in_dim3A, %add3A_19], %scan3A_97#1 : memref<512x64xf32, #tpu.memory_space<vmem>>[vector<16xi32>, vector<16xi32>], vector<16xf32>,
        tpu.vector_store_idx %arg10[%broadcast_in_dim3A, %add3A_25], %scan3A_97#2 : memref<512x64xf32, #tpu.memory_space<vmem>>[vector<16xi32>, vector<16xi32>], vector<16xf32>,
        tpu.vector_store_idx %arg10[%broadcast_in_dim3A, %add3A_34], %scan3A_97#3 : memref<512x64xf32, #tpu.memory_space<vmem>>[vector<16xi32>, vector<16xi32>], vector<16xf32>,
      }
      %scan3A_89 = arith.constant 16 : i32
    }
    %scan3A_46 = arith.constant 16 : i32
    %multiple_of3A_47 = tpu.assume_multiple %mul3A_2, 512 : i32
    "tpu.region"() ({
      %run_scoped3A = tpu.sem_alloc : memref<!tpu.dma_semaphore, #tpu.memory_space<semaphore_mem>>
      %dma_start3A_48 = arith.constant 0 : i32
      %dma_start3A_49 = tpu.memref_slice %arg5[%multiple_of3A_47, %dma_start3A_48] : memref<16384x64xf32, #tpu.memory_space<hbm>> -> memref<512x64xf32, #tpu.memory_space<hbm>>
      %dma_start3A_50 = arith.constant 0 : i32
      %dma_start3A_51 = tpu.memref_slice %arg5[%multiple_of3A_47, %dma_start3A_50] : memref<16384x64xf32, #tpu.memory_space<hbm>> -> memref<512x64xf32, #tpu.memory_space<hbm>>
      tpu.enqueue_dma source(%arg10 : memref<512x64xf32, #tpu.memory_space<vmem>>) target(%dma_start3A_51 : memref<512x64xf32, #tpu.memory_space<hbm>>) target_semaphore(%run_scoped3A : memref<!tpu.dma_semaphore, #tpu.memory_space<semaphore_mem>>)
      %dma_wait3A = arith.constant 0 : i32
      %dma_wait3A_52 = tpu.memref_slice %arg5[%multiple_of3A_47, %dma_wait3A] : memref<16384x64xf32, #tpu.memory_space<hbm>> -> memref<512x64xf32, #tpu.memory_space<hbm>>
      %dma_wait3A_53 = arith.constant 0 : i32
      %dma_wait3A_54 = tpu.memref_slice %arg5[%multiple_of3A_47, %dma_wait3A_53] : memref<16384x64xf32, #tpu.memory_space<hbm>> -> memref<512x64xf32, #tpu.memory_space<hbm>>
      tpu.wait_dma2 semaphore(%run_scoped3A : memref<!tpu.dma_semaphore, #tpu.memory_space<semaphore_mem>>) src(%arg10 : memref<512x64xf32, #tpu.memory_space<vmem>>) dst(%dma_wait3A_54 : memref<512x64xf32, #tpu.memory_space<hbm>>)
      tpu.yield
    }) : () -> ()
    return
  }
}

</mosaic_0001>

<sc_bundles>
// kernel: kernel.3.cloned.1.call-start
scs
__scs_entry_jumppad:
0x0: {  	(pc) =	sbr.rel $0x88, $3  }
0x1: {  	(tag) =	ssettag $0x0;
	lr =	simm.s32 $0x1  }
0x2: {  	[smem:$0x3F9E] =	sst lr;
	_ =	strace $0xD0000000  }
0x3: {  	_ = 	snop  }
0x4: {  	_ = 	snop  }
0x5: {  	_ = 	snop  }
0x6: {  	_ = 	snop  }
0x7: {  	_ = 	snop  }
__scs_overlays_trampoline_lowered:
0x8: {  	[smem:$0x3FAD] =	sst s0  }
0x9: {  	[smem:$0x3FAE] =	sst s1  }
0xa: {  	[smem:$0x3FAF] =	sst s2  }
0xb: {  	[smem:$0x3FB0] =	sst s3  }
0xc: {  	[smem:$0x3FB1] =	sst s4  }
0xd: {  	[smem:$0x3FB2] =	sst s5  }
0xe: {  	[smem:$0x3FB3] =	sst s6  }
0xf: {  	[smem:$0x3FB4] =	sst s7  }
0x10: {  	[smem:$0x3FB5] =	sst s8  }
0x11: {  	[smem:$0x3FB6] =	sst s9;
	s0 =	simm.s32 @!p0 $0x0  }
0x12: {  	s1 =	sld [smem:$0x3F9C];
	s0 =	simm.s32 @p0 $0x1  }
0x13: {  	[smem:$0x3FB7] =	sst s0;
	s0 =	simm.s32 @!p1 $0x0  }
0x14: {  	s2 =	sld [smem:$0x3F9B];
	s0 =	simm.s32 @p1 $0x1  }
0x15: {  	[smem:$0x3FB8] =	sst s0;
	s0 =	simm.s32 @!p2 $0x0  }
0x16: {  	s3 =	sld [smem:$0x3FDB];
	s0 =	simm.s32 @p2 $0x1  }
0x17: {  	s4 =	simm.s32 $0x1BF5;
	[smem:$0x3FBA] =	sst s0  }
0x18: {  	s0 =	sld [smem:$0x3F9D];
	_ =	swait.ge [sflag:s4], $0x0  }
0x19: {  	s7 =	sld [smem:$0x3F9E]  }
0x1a: {  	s8 =	sadd.s32 $0xFFFFE003, lr  }
0x1b: {  	s9 =	sadd.s32 $0xFFFFFEF7, lr;
	s5 =	simm.s32 $0xFFFFFFFF;
	p2 =	slt.u32 s8, $0xFFFFF086  }
0x1c: {  	p1 =	slt.u32 s9, $0xF7A;
	s5 =	simm.s32 @!p2 $0x0  }
0x1d: {  	s5 =	simm.s32 @p1 $0x1;
	p0 =	seq.s32 s7, s2  }
0x1e: {  	s7 =	smul.u32 @!p0 $0xF7A, s2;
	p2 =	seq.s32 @!p0 s5, $0x0  }
0x1f: {  	s9 =	smul.u32 $0xF7A, s1;
	s8 =	simm.s32 @!p0 $0x1BF5;
	p2 =	por !p2, p0  }
0x20: {  	[sflag:s8] =	ssyncset.s32 @!p0 $0xFFFFF086;
	s6 =	sadd.s32 @!p0 s3, s7;
	s7 =	simm.s32 @!p0 $0x108  }
0x21: {  	s3 =	sadd.s32 s3, s9;
	s6 =	sadd.s32 @!p0 $0x88, s6;
	s7 =	simm.s32 @p2 $0x1082  }
0x22: {  	[simem:s7], [sflag:s8] =	dma.local @!p0 [hbm:s6], $0xF7A  }
0x23: {  	s9 =	sor.u32 $0xD0000000, s2;
	s6 =	simm.s32 $0x108;
	_ =	swait.ge @!p0 [sflag:s8], $0x0  }
0x24: {  	s3 =	sadd.s32 $0x88, s3;
	s6 =	simm.s32 @!p1 $0x1082;
	[sflag:s4] =	ssyncset.s32 $0xFFFFF086  }
0x25: {  	[simem:s6], [sflag:s4] =	dma.local [hbm:s3], $0xF7A  }
0x26: {  	[smem:$0x3F9E] =	sst s1;
	(tag) =	ssettag s2;
	_ =	strace s9  }
0x27: {  	s1 =	sld [smem:$0x3FAE]  }
0x28: {  	s2 =	sld [smem:$0x3FAF]  }
0x29: {  	s4 =	sld [smem:$0x3FB1]  }
0x2a: {  	p0 =	seq.s32 s5, $0x0;
	s5 =	sld [smem:$0x3FB2]  }
0x2b: {  	s6 =	sld [smem:$0x3FB3]  }
0x2c: {  	s7 =	sld [smem:$0x3FB4]  }
0x2d: {  	s3 =	simm.s32 $0x108;
	s8 =	sld [smem:$0x3FB5]  }
0x2e: {  	s3 =	simm.s32 @!p0 $0x1082;
	s9 =	sld [smem:$0x3FB6]  }
0x2f: {  	lr =	sadd.s32 s0, s3;
	s0 =	sld [smem:$0x3FAD]  }
0x30: {  	s3 =	sld [smem:$0x3FB0]  }
0x31: {  	[smem:$0x3FB9] =	sst s10  }
0x32: {  	s10 =	sld [smem:$0x3FB7];
	_ =	sdelay $0x3  }
0x33: {  	p0 =	seq.s32 s10, $0x1;
	s10 =	sld [smem:$0x3FB9];
	_ =	sdelay $0x3  }
0x34: {  	[smem:$0x3FB9] =	sst s10  }
0x35: {  	s10 =	sld [smem:$0x3FB8];
	_ =	sdelay $0x3  }
0x36: {  	p1 =	seq.s32 s10, $0x1;
	s10 =	sld [smem:$0x3FB9];
	_ =	sdelay $0x3  }
0x37: {  	[smem:$0x3FB9] =	sst s10  }
0x38: {  	s10 =	sld [smem:$0x3FBA]  }
0x39: {  	_ = 	snop;
	(pc) =	sbr.ind lr, $3  }
0x3a: {  	_ = 	snop  }
0x3b: {  	_ = 	snop  }
0x3c: {  	p2 =	seq.s32 s10, $0x1;
	s10 =	sld [smem:$0x3FB9]  }
0x3d: {  	_ =	shalt  }
0x3e: {  	_ =	shalt  }
0x3f: {  	_ =	shalt  }
0x40: {  	_ =	shalt  }
0x41: {  	_ =	shalt  }
0x42: {  	_ =	shalt  }
0x43: {  	_ =	shalt  }
0x44: {  	_ =	shalt  }
0x45: {  	_ =	shalt  }
0x46: {  	_ =	shalt  }
0x47: {  	_ =	shalt  }
0x48: {  	_ =	shalt  }
0x49: {  	_ =	shalt  }
0x4a: {  	_ =	shalt  }
0x4b: {  	_ =	shalt  }
0x4c: {  	_ =	shalt  }
0x4d: {  	_ =	shalt  }
0x4e: {  	_ =	shalt  }
0x4f: {  	_ =	shalt  }
0x50: {  	_ =	shalt  }
0x51: {  	_ =	shalt  }
0x52: {  	_ =	shalt  }
0x53: {  	_ =	shalt  }
0x54: {  	_ =	shalt  }
0x55: {  	_ =	shalt  }
0x56: {  	_ =	shalt  }
0x57: {  	_ =	shalt  }
0x58: {  	_ =	shalt  }
0x59: {  	_ =	shalt  }
0x5a: {  	_ =	shalt  }
0x5b: {  	_ =	shalt  }
0x5c: {  	_ =	shalt  }
0x5d: {  	_ =	shalt  }
0x5e: {  	_ =	shalt  }
0x5f: {  	_ =	shalt  }
0x60: {  	_ =	shalt  }
0x61: {  	_ =	shalt  }
0x62: {  	_ =	shalt  }
0x63: {  	_ =	shalt  }
0x64: {  	_ =	shalt  }
0x65: {  	_ =	shalt  }
0x66: {  	_ =	shalt  }
0x67: {  	_ =	shalt  }
0x68: {  	_ =	shalt  }
0x69: {  	_ =	shalt  }
0x6a: {  	_ =	shalt  }
0x6b: {  	_ =	shalt  }
0x6c: {  	_ =	shalt  }
0x6d: {  	_ =	shalt  }
0x6e: {  	_ =	shalt  }
0x6f: {  	_ =	shalt  }
0x70: {  	_ =	shalt  }
0x71: {  	_ =	shalt  }
0x72: {  	_ =	shalt  }
0x73: {  	_ =	shalt  }
0x74: {  	_ =	shalt  }
0x75: {  	_ =	shalt  }
0x76: {  	_ =	shalt  }
0x77: {  	_ =	shalt  }
0x78: {  	_ =	shalt  }
0x79: {  	_ =	shalt  }
0x7a: {  	_ =	shalt  }
0x7b: {  	_ =	shalt  }
0x7c: {  	_ =	shalt  }
0x7d: {  	_ =	shalt  }
0x7e: {  	_ =	shalt  }
0x7f: {  	_ =	shalt  }
0x80: {  	_ =	shalt  }
0x81: {  	_ =	shalt  }
0x82: {  	_ =	shalt  }
0x83: {  	_ =	shalt  }
0x84: {  	_ =	shalt  }
0x85: {  	_ =	shalt  }
0x86: {  	_ =	shalt  }
0x87: {  	_ =	shalt  }
.Lfunc_end0:
.L_simem_size_0:
called_computation_lowered:
.L_overlay_start_0:
0x88: {  	s2 =	sld [smem:$0x3FD9]  }
0x89: {  	s3 =	sld [smem:$0x3FFE];
	_ =	sdelay $0x1  }
0x8a: {  	s1 =	srdreg.scid  }
0x8b: {  	s0 =	sand.u32 $0x1, s1  }
0x8c: {  	s17 =	sshll.u32 s0, $0xA;
	s2 =	sadd.s32 s3, s2  }
0x8d: {  	s2 =	sadd.s32 s2, s17  }
0x8e: {  	[smem:$0x3FC5] =	sst s2  }
0x8f: {  	_ = 	snop  }
0x90: {  	s2 =	sld [smem:$0x3FC7]  }
0x91: {  	s18 =	sld [smem:$0x3FD0];
	(tm) =	ssettm $0x1  }
0x92: {  	s4 =	sld [smem:$0x3FFB];
	_ =	sdelay $0x3  }
0x93: {  	_ =	strace s4  }
0x94: {  	s4 =	sld [smem:$0x3FFC];
	_ =	sdelay $0x3  }
0x95: {  	_ =	strace s4  }
0x96: {  	s4 =	sld [smem:$0x3FFD];
	_ =	sdelay $0x3  }
0x97: {  	_ =	strace s4  }
0x98: {  	_ =	strace $0x8FFFFFFF  }
0x99: {  	s19 =	sld [smem:$0x3FDB];
	_ =	sdelay $0x1  }
0x9a: {  	s5 =	simm.s32 $_scs_section_size  }
0x9b: {  	s6 =	simm.s32 $_size__tile_overlayer_lowered;
	s7 =	simm.s32 $_tile_overlayer_lowered  }
0x9c: {  	s22 =	simm.s32 $0x1BFF;
	s21 =	sshll.u32 s7, $0x1;
	s4 =	sadd.s32 s5, s19  }
0x9d: {  	s8 =	simm.s32 $0x0;
	s20 =	sshll.u32 s6, $0x1;
	s6 =	sadd.s32 s21, s4  }
0x9e: {  	[timem:s8], [sflag:s22] =	dma.local [hbm:s6], s20  }
0x9f: {  	_ =	swait.ge [sflag:s22], s20  }
0xa0: {  	s5 =	ssub.s32 $0x0, s20;
	[sflag:s22] =	ssyncset.done $0x0  }
0xa1: {  	[sflag:s22] =	ssyncadd.s32 s5;
	_ =	sdelay $0x1  }
0xa2: {  	s23 =	simm.s32 $0x1B8B  }
0xa3: {  	_ =	swait.ge [sflag:s23], $0x1  }
0xa4: {  	[sflag:s23] =	ssyncset.done $0x0  }
0xa5: {  	s25 =	simm.s32 $0x1B8E;
	s24 =	sld [smem:$0x3FFE];
	[sflag:s23] =	ssyncadd.s32 $0xFFFFFFFF  }
0xa6: {  	s26 =	simm.s32 $execute0_lowered;
	[smem:$0x3FD2] =	sst s25  }
0xa7: {  	s6 =	sshll.u32 s26, $0x1;
	_ =	strace $0x80000046;
	[dreg:$0x1] =	wrdreg $0xFFFFFFFF  }
0xa8: {  	s28 =	simm.s32 $_size_execute0_lowered;
	s4 =	sadd.s32 s4, s6;
	[dreg:$0x0] =	wrdreg $0x0  }
0xa9: {  	s6 =	sshll.u32 s28, $0x1;
	[dreg:$0x2] =	wrdreg s4  }
0xaa: {  	[dreg:$0x3] =	wrdreg s6  }
0xab: {  	[dreg:$0x4] =	wrdreg $0xC0  }
0xac: {  	_ =	task [dreg:s8], $0x5FFFF  }
0xad: {  	[dreg:$0x1] =	wrdreg $0xFFFFFFFF  }
0xae: {  	[dreg:$0x0] =	wrdreg $0x60  }
0xaf: {  	[dreg:$0x2] =	wrdreg s24  }
0xb0: {  	[dreg:$0x3] =	wrdreg s2  }
0xb1: {  	[dreg:$0x4] =	wrdreg s18  }
0xb2: {  	[dreg:$0x5] =	wrdreg $0x9  }
0xb3: {  	_ =	task.clear_ibuf [dreg:s8], $0x6FFFF;
	_ =	strace $0x90000046  }
0xb4: {  	s29 =	simm.s32 $0x9;
	_ =	strace $0x80000048  }
0xb5: {  	_ =	swait.ge [sflag:s29], $0x1  }
0xb6: {  	[sflag:s29] =	ssyncadd.s32 $0xFFFFFFFF  }
0xb7: {  	_ =	strace $0x90000048  }
0xb8: {  	_ =	sfence  }
0xb9: {  	s30 =	sld [smem:$0x0];
	_ =	sdelay $0x2  }
0xba: {  	s31 =	sshll.u32 s1, $0xD;
	s1 =	sshrl.u32 s1, $0x2  }
0xbb: {  	s3 =	sand.u32 $0x4000, s31;
	s1 =	sadd.s32 s1, s30  }
0xbc: {  	s0 =	sor.u32 s3, s0;
	s1 =	sshll.u32 s1, $0x11  }
0xbd: {  	s0 =	sor.u32 s1, s0  }
0xbe: {  	s0 =	sadd.s32 $0x8F2B, s0  }
0xbf: {  	[sflag:s0] =	ssyncadd.remote.s32 $0x1  }
0xc0: {  	_ =	sfence.sel $0xFFFF  }
0xc1: {  	[dreg:$0x0] =	wrdreg $0xFFFFFFFF;
	(pc) =	sbr.abs _section_cstart, $3  }
0xc2: {  	[dreg:$0x1] =	wrdreg $0xFFFFFFFF  }
0xc3: {  	_ =	task.clear_ibuf [dreg:s8], $0x2FFFF;
	_ =	strace $0x9FFFFFFF  }
0xc4: {  	(tm) =	ssettm $0x7FFFFFFF  }
0xc5: {  	_ =	shalt  }
tec
execute0_lowered:
.L_overlay_start_1:
0x0: {  	(tag) =	ssettag $0x1  }
0x1: {  	s4 =	rddreg [dreg:$0x0];
	s1 =	srdreg.scid  }
0x2: {  	s0 =	stileid.u32;
	s2 =	rddreg [dreg:$0x1]  }
0x3: {  	s6 =	rddreg [dreg:$0x2];
	s3 =	simm.s32 $0x0;
	s10 =	simm.s32 $0x320  }
0x4: {  	s11 =	simm.s32 $0x6400;
	s12 =	simm.s32 $0xC800;
	s13 =	simm.s32 $0x1  }
0x5: {  	s14 =	simm.s32 $0x12C40;
	s15 =	simm.s32 $0x2;
	s16 =	simm.s32 $0x0  }
0x6: {  	s5 =	sand.u32 $0x1, s1;
	s31 =	sshll.u32 s0, $0x1;
	s1 =	rddreg [dreg:$0x3]  }
0x7: {  	[smem:$0x7FF] =	sst s3;
	s7 =	sor.u32 s5, s31;
	s5 =	ssub.s32 $0x2, s5  }
0x8: {  	v0 =	vlaneseq.u32;
	s8 =	smul.u32 $0xC80, s7;
	s9 =	sshrl.u32 s5, $0x1;
	s7 =	sshll.u32 s7, $0xC  }
0x9: {  	v0 =	vmul.u32 $0x2, v0;
	_ =	strace $0x80000047;
	s9 =	ssub.s32 s5, s9;
	s6 =	sadd.s32 s6, s7  }
0xa: {  	s8 =	sadd.s32 s8, s4;
	s4 =	sadd.s32 $0x600, s4;
	s7 =	smax.u32 s9, $0x1  }
0xb: {  	v1 =	vor.u32 $0x1, v0;
	v2 =	vor.u32 $0x20, v0;
	v3 =	vor.u32 $0x21, v0;
	s9 =	simm.s32 $0x12C00;
	s5 =	sadd.s32 $0x62200, s8;
	s8 =	simm.s32 $0x3  }
.LBB2_1:
0xc: {  	[tilespmem:s3], [sflag:$0x3] =	stream.linear.gather [hbm4b:s5+s3], $0x6400, $0x38;
	[tilespmem:$0x1AC40] =	vst v63  }
0xd: {  	_ =	swait.ge [sflag:s8], $0x6400  }
0xe: {  	[sflag:s8] =	ssyncset.done $0x0  }
0xf: {  	[sflag:s8] =	ssyncadd.s32 $0xFFFF9C00  }
0x10: {  	[tilespmem:s9], [sflag:$0x3] =	stream.linear.gather [hbm4b:s2+s3], $0x40, $0x38;
	[tilespmem:$0x1AC40] =	vst v63  }
0x11: {  	_ =	swait.ge [sflag:s8], $0x40  }
0x12: {  	[sflag:s8] =	ssyncset.done $0x0  }
0x13: {  	[sflag:s8] =	ssyncadd.s32 $0xFFFFFFC0  }
0x14: {  	v4 =	vld.idx.msk [tilespmem:v0+s9+$0x0], $0xffff  }
0x15: {  	v5 =	vld.idx.msk [tilespmem:v1+s9+$0x0], $0xffff  }
0x16: {  	s17 =	simm.s32 $0x0;
	v6 =	vld.idx.msk [tilespmem:v2+s9+$0x0], $0xffff  }
0x17: {  	v7 =	vld.idx.msk [tilespmem:v3+s9+$0x0], $0xffff;
	[tilespmem:s11], [sflag:$0x1] =	stream.indirect.gather [hbm4b:s4+s10], $0x20, s3, s10, $0xb8  }
.LBB2_2:
0x18: {  	s18 =	sshllo.u32 s17, $0x1  }
0x19: {  	s19 =	smul.u32 $0xC80, s18;
	_ =	sdelay $0x1  }
0x1a: {  	s19 =	sshra.s32 s19, $0x2  }
0x1b: {  	[tilespmem:s12], [sflag:$0x2] =	stream.indirect.gather [hbm4b:s4+s10], $0x20, s19, s10, $0xb8;
	[tilespmem:$0x1AC40] =	vst v63  }
0x1c: {  	_ =	swait.ge [sflag:s13], $0x6400  }
0x1d: {  	s20 =	simm.s32 $0x0;
	[sflag:s13] =	ssyncset.done $0x0  }
0x1e: {  	s21 =	simm.s32 $0x64A0;
	s19 =	sshll.u32 s17, $0x5;
	[sflag:s13] =	ssyncadd.s32 $0xFFFF9C00  }
.LBB2_3:
0x1f: {  	v9 =	vld [tilespmem:s21+$0x80]  }
0x20: {  	v11 =	vld [tilespmem:s21+$0x60]  }
0x21: {  	v13 =	vld [tilespmem:s21+$0x40]  }
0x22: {  	v15 =	vld [tilespmem:s21+$0x20]  }
0x23: {  	v17 =	vld [tilespmem:s21+$0x0]  }
0x24: {  	v18 =	vld [tilespmem:s21+$0xFFFFFFE0]  }
0x25: {  	v19 =	vld [tilespmem:s21+$0xFFFFFFC0]  }
0x26: {  	v20 =	vld [tilespmem:s21+$0xFFFFFFA0]  }
0x27: {  	v21 =	vld [tilespmem:s21+$0xFFFFFF80]  }
0x28: {  	v22 =	vld [tilespmem:s21+$0xFFFFFF60];
	v10 =	vunpack.i.u.bf16.f32 v11;
	v8 =	vunpack.i.u.bf16.f32 v9;
	v9 =	vunpack.i.l.bf16.f32 v9  }
0x29: {  	v23 =	vld [tilespmem:s21+$0xFFFFFF70];
	v12 =	vunpack.i.u.bf16.f32 v13;
	v13 =	vunpack.i.l.bf16.f32 v13;
	v11 =	vunpack.i.l.bf16.f32 v11  }
0x2a: {  	v16 =	vunpack.i.u.bf16.f32 v17;
	v14 =	vunpack.i.u.bf16.f32 v15;
	v15 =	vunpack.i.l.bf16.f32 v15  }
0x2b: {  	v24 =	vld [tilespmem:s21+$0xFFFFFF90];
	v27 =	vunpack.i.u.bf16.f32 v18;
	v18 =	vunpack.i.l.bf16.f32 v18;
	v17 =	vunpack.i.l.bf16.f32 v17  }
0x2c: {  	v25 =	vunpack.i.u.bf16.f32 v20;
	v26 =	vunpack.i.u.bf16.f32 v19;
	v19 =	vunpack.i.l.bf16.f32 v19  }
0x2d: {  	v29 =	vld [tilespmem:s21+$0xFFFFFFB0];
	v28 =	vunpack.i.u.bf16.f32 v21;
	v21 =	vunpack.i.l.bf16.f32 v21;
	v20 =	vunpack.i.l.bf16.f32 v20  }
0x2e: {  	v30 =	vunpack.i.u.bf16.f32 v22;
	v22 =	vunpack.i.l.bf16.f32 v22;
	v31 =	vunpack.i.u.bf16.f32 v23  }
0x2f: {  	v32 =	vld [tilespmem:s21+$0xFFFFFFD0];
	v23 =	vunpack.i.l.bf16.f32 v23;
	v22 =	vadd.f32 v22, v4;
	v30 =	vadd.f32 v30, v5  }
0x30: {  	v33 =	vunpack.i.u.bf16.f32 v24;
	v23 =	vadd.f32 v23, v6;
	v31 =	vadd.f32 v31, v7  }
0x31: {  	v59 =	vld [tilespmem:s21+$0xFFFFFFF0];
	v24 =	vunpack.i.l.bf16.f32 v24;
	v21 =	vadd.f32 v21, v22;
	v22 =	vadd.f32 v28, v30  }
0x32: {  	v60 =	vunpack.i.u.bf16.f32 v29;
	v23 =	vadd.f32 v24, v23;
	v24 =	vadd.f32 v33, v31  }
0x33: {  	v29 =	vunpack.i.l.bf16.f32 v29;
	v21 =	vadd.f32 v20, v21;
	v22 =	vadd.f32 v25, v22;
	v20 =	vld [tilespmem:s21+$0x10]  }
0x34: {  	v61 =	vunpack.i.l.bf16.f32 v32;
	v23 =	vadd.f32 v29, v23;
	v24 =	vadd.f32 v60, v24  }
0x35: {  	v25 =	vunpack.i.u.bf16.f32 v32;
	v62 =	vadd.f32 v19, v21;
	v63 =	vadd.f32 v26, v22;
	v19 =	vld [tilespmem:s21+$0x30]  }
0x36: {  	v21 =	vadd.f32 v61, v23;
	v22 =	vadd.f32 v25, v24;
	v25 =	vunpack.i.u.bf16.f32 v59  }
0x37: {  	s23 =	simm.s32 $0x0;
	s24 =	sadd.s32 $0x140, s21;
	s22 =	smov.u32 s21;
	v26 =	vunpack.i.l.bf16.f32 v59;
	v23 =	vadd.f32 v18, v62;
	v24 =	vadd.f32 v27, v63;
	v18 =	vld [tilespmem:s21+$0x50]  }
.LBB2_4:
0x38: {  	v27 =	vld [tilespmem:s24+$0x80];
	v21 =	vadd.f32 v26, v21;
	v22 =	vadd.f32 v25, v22;
	v25 =	vunpack.i.u.bf16.f32 v20  }
0x39: {  	v20 =	vunpack.i.l.bf16.f32 v20;
	v17 =	vadd.f32 v17, v23;
	v16 =	vadd.f32 v16, v24;
	v23 =	vld [tilespmem:s22+$0x70]  }
0x3a: {  	v20 =	vadd.f32 v20, v21;
	v21 =	vadd.f32 v25, v22;
	v22 =	vunpack.i.u.bf16.f32 v19;
	v24 =	vld [tilespmem:s22+$0x90];
	s22 =	smov.u32 s24  }
0x3b: {  	v19 =	vunpack.i.l.bf16.f32 v19;
	v25 =	vld [tilespmem:s24+$0x60];
	v15 =	vadd.f32 v15, v17;
	v14 =	vadd.f32 v14, v16  }
0x3c: {  	v16 =	vld [tilespmem:s24+$0x40];
	v17 =	vadd.f32 v19, v20;
	v19 =	vadd.f32 v22, v21;
	v20 =	vunpack.i.u.bf16.f32 v18  }
0x3d: {  	v18 =	vunpack.i.l.bf16.f32 v18;
	v21 =	vld [tilespmem:s24+$0x20];
	v13 =	vadd.f32 v13, v15;
	v12 =	vadd.f32 v12, v14  }
0x3e: {  	v22 =	vld [tilespmem:s24+$0x0];
	v14 =	vadd.f32 v18, v17;
	v15 =	vadd.f32 v20, v19;
	v17 =	vunpack.i.u.bf16.f32 v23  }
0x3f: {  	v19 =	vunpack.i.l.bf16.f32 v23;
	v18 =	vld [tilespmem:s24+$0xFFFFFFE0];
	v11 =	vadd.f32 v11, v13;
	v10 =	vadd.f32 v10, v12  }
0x40: {  	v20 =	vld [tilespmem:s24+$0xFFFFFFC0];
	v12 =	vadd.f32 v19, v14;
	v13 =	vadd.f32 v17, v15;
	v14 =	vunpack.i.u.bf16.f32 v24  }
0x41: {  	v15 =	vunpack.i.l.bf16.f32 v24;
	v19 =	vld [tilespmem:s24+$0xFFFFFFA0];
	v23 =	vadd.f32 v9, v11;
	v24 =	vadd.f32 v8, v10  }
0x42: {  	v26 =	vld [tilespmem:s24+$0xFFFFFF80];
	v28 =	vadd.f32 v15, v12;
	v29 =	vadd.f32 v14, v13  }
0x43: {  	v10 =	vunpack.i.u.bf16.f32 v25;
	v8 =	vunpack.i.u.bf16.f32 v27;
	v9 =	vunpack.i.l.bf16.f32 v27;
	v30 =	vld [tilespmem:s24+$0xFFFFFF60]  }
0x44: {  	v11 =	vunpack.i.l.bf16.f32 v25;
	v12 =	vunpack.i.u.bf16.f32 v16;
	v13 =	vunpack.i.l.bf16.f32 v16;
	v27 =	vld [tilespmem:s24+$0xFFFFFF70]  }
0x45: {  	s23 =	sadd.s32 $0xA, s23;
	v14 =	vunpack.i.u.bf16.f32 v21;
	v15 =	vunpack.i.l.bf16.f32 v21;
	v16 =	vunpack.i.u.bf16.f32 v22  }
0x46: {  	p0 =	slt.u32 s23, $0x28;
	v17 =	vunpack.i.l.bf16.f32 v22;
	v31 =	vunpack.i.u.bf16.f32 v18;
	v18 =	vunpack.i.l.bf16.f32 v18;
	v21 =	vld [tilespmem:s24+$0xFFFFFF90]  }
0x47: {  	v25 =	vunpack.i.u.bf16.f32 v20;
	v32 =	vunpack.i.l.bf16.f32 v20;
	v22 =	vunpack.i.u.bf16.f32 v19  }
0x48: {  	v19 =	vunpack.i.l.bf16.f32 v19;
	v20 =	vunpack.i.u.bf16.f32 v26;
	v26 =	vunpack.i.l.bf16.f32 v26;
	v33 =	vld [tilespmem:s24+$0xFFFFFFB0]  }
0x49: {  	v34 =	vunpack.i.u.bf16.f32 v30;
	v30 =	vunpack.i.l.bf16.f32 v30;
	v35 =	vunpack.i.u.bf16.f32 v27  }
0x4a: {  	v27 =	vunpack.i.l.bf16.f32 v27;
	v23 =	vadd.f32 v30, v23;
	v24 =	vadd.f32 v34, v24;
	v30 =	vld [tilespmem:s24+$0xFFFFFFD0]  }
0x4b: {  	v27 =	vadd.f32 v27, v28;
	v28 =	vadd.f32 v35, v29;
	v29 =	vunpack.i.u.bf16.f32 v21  }
0x4c: {  	v21 =	vunpack.i.l.bf16.f32 v21;
	v23 =	vadd.f32 v26, v23;
	v20 =	vadd.f32 v20, v24;
	v24 =	vld [tilespmem:s24+$0xFFFFFFF0]  }
0x4d: {  	v21 =	vadd.f32 v21, v27;
	v26 =	vadd.f32 v29, v28;
	v27 =	vunpack.i.u.bf16.f32 v33  }
.Ltmp0:
0x4e: {  	v28 =	vunpack.i.l.bf16.f32 v33;
	v19 =	vadd.f32 v19, v23;
	v22 =	vadd.f32 v22, v20;
	v20 =	vld [tilespmem:s24+$0x10];
	(pc) =	sbr.rel @p0 .LBB2_4-.Ltmp0, $4  }
0x4f: {  	v21 =	vadd.f32 v28, v21;
	v23 =	vadd.f32 v27, v26;
	v26 =	vunpack.i.u.bf16.f32 v30  }
0x50: {  	v27 =	vunpack.i.l.bf16.f32 v30;
	v28 =	vadd.f32 v32, v19;
	v29 =	vadd.f32 v25, v22;
	v19 =	vld [tilespmem:s24+$0x30]  }
0x51: {  	v21 =	vadd.f32 v27, v21;
	v22 =	vadd.f32 v26, v23;
	v25 =	vunpack.i.u.bf16.f32 v24  }
0x52: {  	s24 =	sadd.s32 $0x140, s24;
	v26 =	vunpack.i.l.bf16.f32 v24;
	v23 =	vadd.f32 v18, v28;
	v24 =	vadd.f32 v31, v29;
	v18 =	vld [tilespmem:s22+$0x50]  }
0x53: {  	v21 =	vadd.f32 v26, v21;
	v22 =	vadd.f32 v25, v22;
	v42 =	vunpack.i.u.bf16.f32 v20  }
0x54: {  	v43 =	vunpack.i.l.bf16.f32 v20;
	s23 =	sadd.s32 s19, s20;
	v17 =	vadd.f32 v17, v23;
	v16 =	vadd.f32 v16, v24  }
0x55: {  	s31 =	sshll.u32 s23, $0x6;
	v20 =	vadd.f32 v43, v21;
	v45 =	vadd.f32 v42, v22;
	v46 =	vunpack.i.u.bf16.f32 v19  }
0x56: {  	v44 =	vld [tilespmem:s22+$0x70];
	v47 =	vunpack.i.l.bf16.f32 v19;
	v55 =	vor.u32 s31, v0;
	v15 =	vadd.f32 v15, v17  }
0x57: {  	v57 =	vor.u32 s31, v1;
	v59 =	vor.u32 s31, v2;
	v14 =	vadd.f32 v14, v16  }
0x58: {  	v51 =	vld [tilespmem:s22+$0x90];
	v60 =	vor.u32 s31, v3;
	v48 =	vadd.f32 v47, v20;
	v13 =	vadd.f32 v13, v15  }
0x59: {  	v49 =	vadd.f32 v46, v45;
	v52 =	vunpack.i.l.bf16.f32 v18;
	v12 =	vadd.f32 v12, v14  }
0x5a: {  	v50 =	vunpack.i.u.bf16.f32 v18;
	v53 =	vadd.f32 v52, v48;
	v11 =	vadd.f32 v11, v13  }
0x5b: {  	s20 =	sadd.s32 $0x1, s20;
	v58 =	vunpack.i.l.bf16.f32 v44;
	v54 =	vadd.f32 v50, v49;
	v10 =	vadd.f32 v10, v12  }
0x5c: {  	p0 =	sne.s32 s20, $0x10;
	v56 =	vunpack.i.u.bf16.f32 v44;
	v14 =	vadd.f32 v58, v53;
	v9 =	vadd.f32 v9, v11  }
.Ltmp1:
0x5d: {  	v61 =	vunpack.i.l.bf16.f32 v51;
	v15 =	vadd.f32 v56, v54;
	v8 =	vadd.f32 v8, v10;
	(pc) =	sbr.rel @p0 .LBB2_3-.Ltmp1, $4  }
0x5e: {  	v62 =	vunpack.i.u.bf16.f32 v51;
	v14 =	vadd.f32 v61, v14;
	[tilespmem:v55+s14+$0x0] =	vst.idx.msk $0xffff, v9  }
0x5f: {  	v63 =	vadd.f32 v62, v15;
	[tilespmem:v57+s14+$0x0] =	vst.idx.msk $0xffff, v8  }
0x60: {  	[tilespmem:v59+s14+$0x0] =	vst.idx.msk $0xffff, v14  }
0x61: {  	s21 =	sadd.s32 $0x640, s21;
	[tilespmem:v60+s14+$0x0] =	vst.idx.msk $0xffff, v63  }
0x62: {  	p0 =	seq.s32 s17, $0xF  }
0x63: {  	s19 =	smul.u32 @!p0 $0x1900, s17;
	_ =	sdelay $0x1  }
0x64: {  	s19 =	sshra.s32 @!p0 s19, $0x2  }
0x65: {  	s20 =	simm.s32 @!p0 $0x320;
	s21 =	simm.s32 @!p0 $0x6400;
	s19 =	sadd.s32 @!p0 $0x640, s19  }
0x66: {  	[tilespmem:s21], [sflag:$0x1] =	stream.indirect.gather @!p0 [hbm4b:s4+s20], $0x20, s19, s20, $0xb8;
	[tilespmem:$0x1AC40] =	vst v63  }
0x67: {  	_ =	swait.ge [sflag:s15], $0x6400  }
0x68: {  	s18 =	sshll.u32 s18, $0x4;
	[sflag:s15] =	ssyncset.done $0x0  }
0x69: {  	s19 =	simm.s32 $0x0;
	s20 =	simm.s32 $0xC8A0;
	[sflag:s15] =	ssyncadd.s32 $0xFFFF9C00  }
.LBB2_7:
0x6a: {  	v9 =	vld [tilespmem:s20+$0x80]  }
0x6b: {  	v11 =	vld [tilespmem:s20+$0x60]  }
0x6c: {  	v13 =	vld [tilespmem:s20+$0x40]  }
0x6d: {  	v15 =	vld [tilespmem:s20+$0x20]  }
0x6e: {  	v17 =	vld [tilespmem:s20+$0x0]  }
0x6f: {  	v18 =	vld [tilespmem:s20+$0xFFFFFFE0]  }
0x70: {  	v19 =	vld [tilespmem:s20+$0xFFFFFFC0]  }
0x71: {  	v20 =	vld [tilespmem:s20+$0xFFFFFFA0]  }
0x72: {  	v21 =	vld [tilespmem:s20+$0xFFFFFF80]  }
0x73: {  	v22 =	vld [tilespmem:s20+$0xFFFFFF60];
	v10 =	vunpack.i.u.bf16.f32 v11;
	v8 =	vunpack.i.u.bf16.f32 v9;
	v9 =	vunpack.i.l.bf16.f32 v9  }
0x74: {  	v23 =	vld [tilespmem:s20+$0xFFFFFF70];
	v12 =	vunpack.i.u.bf16.f32 v13;
	v13 =	vunpack.i.l.bf16.f32 v13;
	v11 =	vunpack.i.l.bf16.f32 v11  }
0x75: {  	v16 =	vunpack.i.u.bf16.f32 v17;
	v14 =	vunpack.i.u.bf16.f32 v15;
	v15 =	vunpack.i.l.bf16.f32 v15  }
0x76: {  	v24 =	vld [tilespmem:s20+$0xFFFFFF90];
	v27 =	vunpack.i.u.bf16.f32 v18;
	v18 =	vunpack.i.l.bf16.f32 v18;
	v17 =	vunpack.i.l.bf16.f32 v17  }
0x77: {  	v25 =	vunpack.i.u.bf16.f32 v20;
	v26 =	vunpack.i.u.bf16.f32 v19;
	v19 =	vunpack.i.l.bf16.f32 v19  }
0x78: {  	v29 =	vld [tilespmem:s20+$0xFFFFFFB0];
	v28 =	vunpack.i.u.bf16.f32 v21;
	v21 =	vunpack.i.l.bf16.f32 v21;
	v20 =	vunpack.i.l.bf16.f32 v20  }
0x79: {  	v30 =	vunpack.i.u.bf16.f32 v22;
	v22 =	vunpack.i.l.bf16.f32 v22;
	v31 =	vunpack.i.u.bf16.f32 v23  }
0x7a: {  	v32 =	vld [tilespmem:s20+$0xFFFFFFD0];
	v23 =	vunpack.i.l.bf16.f32 v23;
	v22 =	vadd.f32 v22, v4;
	v30 =	vadd.f32 v30, v5  }
0x7b: {  	v33 =	vunpack.i.u.bf16.f32 v24;
	v23 =	vadd.f32 v23, v6;
	v31 =	vadd.f32 v31, v7  }
0x7c: {  	v59 =	vld [tilespmem:s20+$0xFFFFFFF0];
	v24 =	vunpack.i.l.bf16.f32 v24;
	v21 =	vadd.f32 v21, v22;
	v22 =	vadd.f32 v28, v30  }
0x7d: {  	v60 =	vunpack.i.u.bf16.f32 v29;
	v23 =	vadd.f32 v24, v23;
	v24 =	vadd.f32 v33, v31  }
0x7e: {  	v29 =	vunpack.i.l.bf16.f32 v29;
	v21 =	vadd.f32 v20, v21;
	v22 =	vadd.f32 v25, v22;
	v20 =	vld [tilespmem:s20+$0x10]  }
0x7f: {  	v61 =	vunpack.i.l.bf16.f32 v32;
	v23 =	vadd.f32 v29, v23;
	v24 =	vadd.f32 v60, v24  }
0x80: {  	v25 =	vunpack.i.u.bf16.f32 v32;
	v62 =	vadd.f32 v19, v21;
	v63 =	vadd.f32 v26, v22;
	v19 =	vld [tilespmem:s20+$0x30]  }
0x81: {  	v21 =	vadd.f32 v61, v23;
	v22 =	vadd.f32 v25, v24;
	v25 =	vunpack.i.u.bf16.f32 v59  }
0x82: {  	s22 =	simm.s32 $0x0;
	s23 =	sadd.s32 $0x140, s20;
	s21 =	smov.u32 s20;
	v26 =	vunpack.i.l.bf16.f32 v59;
	v23 =	vadd.f32 v18, v62;
	v24 =	vadd.f32 v27, v63;
	v18 =	vld [tilespmem:s20+$0x50]  }
.LBB2_8:
0x83: {  	v27 =	vld [tilespmem:s23+$0x80];
	v21 =	vadd.f32 v26, v21;
	v22 =	vadd.f32 v25, v22;
	v25 =	vunpack.i.u.bf16.f32 v20  }
0x84: {  	v20 =	vunpack.i.l.bf16.f32 v20;
	v17 =	vadd.f32 v17, v23;
	v16 =	vadd.f32 v16, v24;
	v23 =	vld [tilespmem:s21+$0x70]  }
0x85: {  	v20 =	vadd.f32 v20, v21;
	v21 =	vadd.f32 v25, v22;
	v22 =	vunpack.i.u.bf16.f32 v19;
	v24 =	vld [tilespmem:s21+$0x90];
	s21 =	smov.u32 s23  }
0x86: {  	v19 =	vunpack.i.l.bf16.f32 v19;
	v25 =	vld [tilespmem:s23+$0x60];
	v15 =	vadd.f32 v15, v17;
	v14 =	vadd.f32 v14, v16  }
0x87: {  	v16 =	vld [tilespmem:s23+$0x40];
	v17 =	vadd.f32 v19, v20;
	v19 =	vadd.f32 v22, v21;
	v20 =	vunpack.i.u.bf16.f32 v18  }
0x88: {  	v18 =	vunpack.i.l.bf16.f32 v18;
	v21 =	vld [tilespmem:s23+$0x20];
	v13 =	vadd.f32 v13, v15;
	v12 =	vadd.f32 v12, v14  }
0x89: {  	v22 =	vld [tilespmem:s23+$0x0];
	v14 =	vadd.f32 v18, v17;
	v15 =	vadd.f32 v20, v19;
	v17 =	vunpack.i.u.bf16.f32 v23  }
0x8a: {  	v19 =	vunpack.i.l.bf16.f32 v23;
	v18 =	vld [tilespmem:s23+$0xFFFFFFE0];
	v11 =	vadd.f32 v11, v13;
	v10 =	vadd.f32 v10, v12  }
0x8b: {  	v20 =	vld [tilespmem:s23+$0xFFFFFFC0];
	v12 =	vadd.f32 v19, v14;
	v13 =	vadd.f32 v17, v15;
	v14 =	vunpack.i.u.bf16.f32 v24  }
0x8c: {  	v15 =	vunpack.i.l.bf16.f32 v24;
	v19 =	vld [tilespmem:s23+$0xFFFFFFA0];
	v23 =	vadd.f32 v9, v11;
	v24 =	vadd.f32 v8, v10  }
0x8d: {  	v26 =	vld [tilespmem:s23+$0xFFFFFF80];
	v28 =	vadd.f32 v15, v12;
	v29 =	vadd.f32 v14, v13  }
0x8e: {  	v10 =	vunpack.i.u.bf16.f32 v25;
	v8 =	vunpack.i.u.bf16.f32 v27;
	v9 =	vunpack.i.l.bf16.f32 v27;
	v30 =	vld [tilespmem:s23+$0xFFFFFF60]  }
0x8f: {  	v11 =	vunpack.i.l.bf16.f32 v25;
	v12 =	vunpack.i.u.bf16.f32 v16;
	v13 =	vunpack.i.l.bf16.f32 v16;
	v27 =	vld [tilespmem:s23+$0xFFFFFF70]  }
0x90: {  	s22 =	sadd.s32 $0xA, s22;
	v14 =	vunpack.i.u.bf16.f32 v21;
	v15 =	vunpack.i.l.bf16.f32 v21;
	v16 =	vunpack.i.u.bf16.f32 v22  }
0x91: {  	p0 =	slt.u32 s22, $0x28;
	v17 =	vunpack.i.l.bf16.f32 v22;
	v31 =	vunpack.i.u.bf16.f32 v18;
	v18 =	vunpack.i.l.bf16.f32 v18;
	v21 =	vld [tilespmem:s23+$0xFFFFFF90]  }
0x92: {  	v25 =	vunpack.i.u.bf16.f32 v20;
	v32 =	vunpack.i.l.bf16.f32 v20;
	v22 =	vunpack.i.u.bf16.f32 v19  }
0x93: {  	v19 =	vunpack.i.l.bf16.f32 v19;
	v20 =	vunpack.i.u.bf16.f32 v26;
	v26 =	vunpack.i.l.bf16.f32 v26;
	v33 =	vld [tilespmem:s23+$0xFFFFFFB0]  }
0x94: {  	v34 =	vunpack.i.u.bf16.f32 v30;
	v30 =	vunpack.i.l.bf16.f32 v30;
	v35 =	vunpack.i.u.bf16.f32 v27  }
0x95: {  	v27 =	vunpack.i.l.bf16.f32 v27;
	v23 =	vadd.f32 v30, v23;
	v24 =	vadd.f32 v34, v24;
	v30 =	vld [tilespmem:s23+$0xFFFFFFD0]  }
0x96: {  	v27 =	vadd.f32 v27, v28;
	v28 =	vadd.f32 v35, v29;
	v29 =	vunpack.i.u.bf16.f32 v21  }
0x97: {  	v21 =	vunpack.i.l.bf16.f32 v21;
	v23 =	vadd.f32 v26, v23;
	v20 =	vadd.f32 v20, v24;
	v24 =	vld [tilespmem:s23+$0xFFFFFFF0]  }
0x98: {  	v21 =	vadd.f32 v21, v27;
	v26 =	vadd.f32 v29, v28;
	v27 =	vunpack.i.u.bf16.f32 v33  }
.Ltmp2:
0x99: {  	v28 =	vunpack.i.l.bf16.f32 v33;
	v19 =	vadd.f32 v19, v23;
	v22 =	vadd.f32 v22, v20;
	v20 =	vld [tilespmem:s23+$0x10];
	(pc) =	sbr.rel @p0 .LBB2_8-.Ltmp2, $4  }
0x9a: {  	v21 =	vadd.f32 v28, v21;
	v23 =	vadd.f32 v27, v26;
	v26 =	vunpack.i.u.bf16.f32 v30  }
0x9b: {  	v27 =	vunpack.i.l.bf16.f32 v30;
	v28 =	vadd.f32 v32, v19;
	v29 =	vadd.f32 v25, v22;
	v19 =	vld [tilespmem:s23+$0x30]  }
0x9c: {  	v21 =	vadd.f32 v27, v21;
	v22 =	vadd.f32 v26, v23;
	v25 =	vunpack.i.u.bf16.f32 v24  }
0x9d: {  	s23 =	sadd.s32 $0x140, s23;
	v26 =	vunpack.i.l.bf16.f32 v24;
	v23 =	vadd.f32 v18, v28;
	v24 =	vadd.f32 v31, v29;
	v18 =	vld [tilespmem:s21+$0x50]  }
0x9e: {  	v21 =	vadd.f32 v26, v21;
	v22 =	vadd.f32 v25, v22;
	v42 =	vunpack.i.u.bf16.f32 v20  }
0x9f: {  	v43 =	vunpack.i.l.bf16.f32 v20;
	s22 =	sadd.s32 s18, s19;
	v17 =	vadd.f32 v17, v23;
	v16 =	vadd.f32 v16, v24  }
0xa0: {  	s31 =	sshll.u32 s22, $0x6;
	v20 =	vadd.f32 v43, v21;
	v45 =	vadd.f32 v42, v22;
	v46 =	vunpack.i.u.bf16.f32 v19  }
0xa1: {  	v44 =	vld [tilespmem:s21+$0x70];
	v47 =	vunpack.i.l.bf16.f32 v19;
	v55 =	vor.u32 s31, v0;
	v15 =	vadd.f32 v15, v17  }
0xa2: {  	v57 =	vor.u32 s31, v1;
	v59 =	vor.u32 s31, v2;
	v14 =	vadd.f32 v14, v16  }
0xa3: {  	v51 =	vld [tilespmem:s21+$0x90];
	v60 =	vor.u32 s31, v3;
	v48 =	vadd.f32 v47, v20;
	v13 =	vadd.f32 v13, v15  }
0xa4: {  	v49 =	vadd.f32 v46, v45;
	v52 =	vunpack.i.l.bf16.f32 v18;
	v12 =	vadd.f32 v12, v14  }
0xa5: {  	v50 =	vunpack.i.u.bf16.f32 v18;
	v53 =	vadd.f32 v52, v48;
	v11 =	vadd.f32 v11, v13  }
0xa6: {  	s19 =	sadd.s32 $0x1, s19;
	v58 =	vunpack.i.l.bf16.f32 v44;
	v54 =	vadd.f32 v50, v49;
	v10 =	vadd.f32 v10, v12  }
0xa7: {  	p0 =	sne.s32 s19, $0x10;
	v56 =	vunpack.i.u.bf16.f32 v44;
	v14 =	vadd.f32 v58, v53;
	v9 =	vadd.f32 v9, v11  }
.Ltmp3:
0xa8: {  	v61 =	vunpack.i.l.bf16.f32 v51;
	v15 =	vadd.f32 v56, v54;
	v8 =	vadd.f32 v8, v10;
	(pc) =	sbr.rel @p0 .LBB2_7-.Ltmp3, $4  }
0xa9: {  	v62 =	vunpack.i.u.bf16.f32 v51;
	v14 =	vadd.f32 v61, v14;
	[tilespmem:v55+s14+$0x0] =	vst.idx.msk $0xffff, v9  }
0xaa: {  	v63 =	vadd.f32 v62, v15;
	[tilespmem:v57+s14+$0x0] =	vst.idx.msk $0xffff, v8  }
0xab: {  	[tilespmem:v59+s14+$0x0] =	vst.idx.msk $0xffff, v14  }
0xac: {  	s20 =	sadd.s32 $0x640, s20;
	[tilespmem:v60+s14+$0x0] =	vst.idx.msk $0xffff, v63  }
0xad: {  	s17 =	sadd.s32 $0x1, s17  }
0xae: {  	p0 =	sne.s32 s17, $0x10  }
.Ltmp4:
0xaf: {  	_ = 	snop;
	(pc) =	sbr.rel @p0 .LBB2_2-.Ltmp4, $1  }
0xb0: {  	_ =	sdelay $0x3  }
0xb1: {  	s16 =	sadd.s32 $0x1, s16  }
0xb2: {  	p0 =	sne.s32 s16, s7  }
.Ltmp5:
0xb3: {  	_ = 	snop;
	(pc) =	sbr.rel @p0 .LBB2_1-.Ltmp5, $4  }
0xb4: {  	[hbm4b:s6+s3] =	stream.linear.scatter [tilespmem:s14], [sflag:$0x3], $0x8000, $0x38;
	[tilespmem:$0x1AC40] =	vst v63  }
0xb5: {  	_ =	swait.ge [sflag:s8], $0x8000  }
0xb6: {  	[sflag:s8] =	ssyncset.done $0x0  }
0xb7: {  	[sflag:s8] =	ssyncadd.s32 $0xFFFF8000  }
0xb8: {  	_ =	sfence.sel $0x180000  }
0xb9: {  	[bflag:$0x0] =	sbarrier.arrive $0xFFFF  }
0xba: {  	p0 =	sne.s32 s0, $0x0;
	_ =	strace $0x90000047  }
0xbb: {  	s0 =	sadd.s32 @!p0 $0x100000, s1;
	[bflag:$0x2] =	sbarrier.arrive $0xFFFF  }
0xbc: {  	[sflag:s0] =	ssyncadd.tile.s32 @!p0 $0x1;
	_ =	shalt  }
.Lfunc_end2:
_tile_overlayer_lowered:
.L_overlay_start_2:
0xbd: {  	(tag) =	ssettag $0x2  }
0xbe: {  	s0 =	rddreg [dreg:$0x0];
	s2 =	stileid.u32  }
0xbf: {  	s1 =	rddreg [dreg:$0x1];
	p0 =	sne.s32 s2, $0x0  }
0xc0: {  	s3 =	rddreg [dreg:$0x2];
	[bflag:$0x3] =	sbarrier.arrive $0xFFFF;
	s2 =	simm.s32 @!p0 $0x1C03  }
0xc1: {  	[timem:s3], [sflag:s2] =	dma.local @!p0 [hbm:s0], s1  }
0xc2: {  	s0 =	simm.s32 @!p0 $0x3  }
0xc3: {  	_ =	swait.ge @!p0 [sflag:s0], s1  }
0xc4: {  	s1 =	ssub.s32 @!p0 $0x0, s1;
	[sflag:s0] =	ssyncset.done @!p0 $0x0  }
0xc5: {  	[sflag:s0] =	ssyncadd.s32 @!p0 s1  }
0xc6: {  	[bflag:$0x3] =	sbarrier.arrive $0xFFFF  }
0xc7: {  	_ =	shalt  }

</sc_bundles>
